<compile_context>
chip_gen: v7x
topology: tpu7x:2x2x1
jax: 0.10.2.dev20260603
libtpu: 0.0.44.dev20260713+nightly
codegen_flags: <defaults>
</compile_context>

<pallas_src>
import functools

import jax
import jax.numpy as jnp
from jax import lax
from jax.experimental import pallas as pl
from jax.experimental.pallas import tpu as pltpu
from jax.experimental.pallas import tpu_sc as plsc

N = 10000
E = 320000
D = 128
NW = 32
CHUNK = 80
NCH = E // NW // CHUNK
NBUF = 3
KB = 25
NBLK = NCH // KB
ROWS_PER_TILE = N // 16

_mesh = plsc.VectorSubcoreMesh(core_axis_name="c", subcore_axis_name="s")
_sc_params = pltpu.CompilerParams(use_tc_tiling_on_sc=False)


def _sc_agg_body(with_count, *refs):
    if with_count:
        (x_hbm, src_hbm, dst_hbm, z128_hbm, z16_hbm, ones_hbm,
         pacc_hbm, pcnt_hbm, sblk, dblk, rows, ones_v, acc, cnt,
         sem_ib, sem_g, sem_s, sem_c) = refs
    else:
        (x_hbm, src_hbm, dst_hbm, z128_hbm,
         pacc_hbm, sblk, dblk, rows, acc, sem_ib, sem_g, sem_s) = refs
        sem_c = None
    c = lax.axis_index("c")
    s = lax.axis_index("s")
    wid = s * 2 + c
    sl = pl.ds(s * ROWS_PER_TILE, ROWS_PER_TILE)

    def start_blk(B, t):
        pltpu.async_copy(src_hbm.at[wid, B], sblk.at[t], sem_ib.at[t])
        pltpu.async_copy(dst_hbm.at[wid, B], dblk.at[t], sem_ib.at[t])

    def wait_blk(t):
        pltpu.make_async_copy(src_hbm.at[0, 0], sblk.at[t], sem_ib.at[t]).wait()
        pltpu.make_async_copy(dst_hbm.at[0, 0], dblk.at[t], sem_ib.at[t]).wait()

    def start_gather(j):
        t = lax.rem(lax.div(j, KB), 2)
        k = lax.rem(j, KB)
        b = lax.rem(j, NBUF)
        pltpu.async_copy(x_hbm.at[sblk.at[t, k]], rows.at[b], sem_g.at[b])

    def wait_gather(b):
        pltpu.make_async_copy(x_hbm.at[pl.ds(0, CHUNK)], rows.at[b],
                              sem_g.at[b]).wait()

    def start_scatter(j):
        t = lax.rem(lax.div(j, KB), 2)
        k = lax.rem(j, KB)
        b = lax.rem(j, NBUF)
        pltpu.async_copy(rows.at[b], acc.at[dblk.at[t, k]], sem_s.at[b],
                         add=True)
        if with_count:
            pltpu.async_copy(ones_v, cnt.at[dblk.at[t, k]], sem_c.at[b],
                             add=True)

    def wait_scatter(b):
        pltpu.make_async_copy(rows.at[b], acc.at[pl.ds(0, CHUNK)],
                              sem_s.at[b]).wait()
        if with_count:
            pltpu.make_async_copy(ones_v, cnt.at[pl.ds(0, CHUNK)],
                                  sem_c.at[b]).wait()

    start_blk(0, 0)
    start_blk(1, 1)
    pltpu.sync_copy(z128_hbm, acc.at[sl])
    if with_count:
        pltpu.sync_copy(z16_hbm, cnt.at[sl])
        pltpu.sync_copy(ones_hbm, ones_v)
    wait_blk(0)
    start_gather(0)
    start_gather(1)
    plsc.subcore_barrier()

    def body(j, carry):
        b = lax.rem(j, NBUF)

        wait_gather(b)
        start_scatter(j)

        @pl.when(j >= 1)
        def _():
            wait_scatter(lax.rem(j - 1, NBUF))

        @pl.when(jnp.logical_and(j + 2 < NCH, lax.rem(j + 2, KB) == 0))
        def _():
            wait_blk(lax.rem(lax.div(j + 2, KB), 2))

        @pl.when(j + 2 < NCH)
        def _():
            start_gather(j + 2)

        nxt = lax.div(j, KB) + 1

        @pl.when(jnp.logical_and(lax.rem(j, KB) == 1,
                                 jnp.logical_and(j > KB, nxt < NBLK)))
        def _():
            start_blk(nxt, lax.rem(nxt, 2))

        return carry

    lax.fori_loop(0, NCH, body, 0)
    wait_scatter(lax.rem(NCH - 1, NBUF))
    plsc.subcore_barrier()
    pltpu.sync_copy(acc.at[sl], pacc_hbm.at[c, sl])
    if with_count:
        pltpu.sync_copy(cnt.at[sl], pcnt_hbm.at[c, sl])


_sc_agg_count = functools.partial(
    pl.kernel,
    out_type=(jax.ShapeDtypeStruct((2, N, D), jnp.float32),
              jax.ShapeDtypeStruct((2, N, 16), jnp.float32)),
    scratch_types=[
        pltpu.VMEM((2, KB, CHUNK), jnp.int32),
        pltpu.VMEM((2, KB, CHUNK), jnp.int32),
        pltpu.VMEM((NBUF, CHUNK, D), jnp.float32),
        pltpu.VMEM((CHUNK, 16), jnp.float32),
        pltpu.VMEM_SHARED((N, D), jnp.float32),
        pltpu.VMEM_SHARED((N, 16), jnp.float32),
        pltpu.SemaphoreType.DMA((2,)),
        pltpu.SemaphoreType.DMA((NBUF,)),
        pltpu.SemaphoreType.DMA((NBUF,)),
        pltpu.SemaphoreType.DMA((NBUF,)),
    ],
    mesh=_mesh,
    compiler_params=_sc_params,
)(functools.partial(_sc_agg_body, True))


_sc_agg = functools.partial(
    pl.kernel,
    out_type=jax.ShapeDtypeStruct((2, N, D), jnp.float32),
    scratch_types=[
        pltpu.VMEM((2, KB, CHUNK), jnp.int32),
        pltpu.VMEM((2, KB, CHUNK), jnp.int32),
        pltpu.VMEM((NBUF, CHUNK, D), jnp.float32),
        pltpu.VMEM_SHARED((N, D), jnp.float32),
        pltpu.SemaphoreType.DMA((2,)),
        pltpu.SemaphoreType.DMA((NBUF,)),
        pltpu.SemaphoreType.DMA((NBUF,)),
    ],
    mesh=_mesh,
    compiler_params=_sc_params,
)(functools.partial(_sc_agg_body, False))


_BN = 2000
_ROW_SPECS = [
    pl.BlockSpec((2, _BN, D), lambda i: (0, i, 0)),
    pl.BlockSpec((2, _BN, 16), lambda i: (0, i, 0)),
    pl.BlockSpec((_BN, D), lambda i: (i, 0)),
]
_W_SPEC = pl.BlockSpec((D, D), lambda i: (0, 0))
_B_SPEC = pl.BlockSpec((1, D), lambda i: (0, 0))
_OUT_SPEC = pl.BlockSpec((_BN, D), lambda i: (i, 0))
_OUT_SHAPE = jax.ShapeDtypeStruct((N, D), jnp.float32)


def _agg_of(pa_ref, pc_ref):
    asum = pa_ref[0] + pa_ref[1]
    cnt = pc_ref[0, :, 0:1] + pc_ref[1, :, 0:1]
    return asum / jnp.maximum(cnt, 1.0)


def _tc_update_body(relu, pa_ref, pc_ref, x_ref, wl_ref, b_ref, wr_ref,
                    o_ref):
    agg = _agg_of(pa_ref, pc_ref)
    h = (jnp.dot(agg, wl_ref[...], preferred_element_type=jnp.float32)
         + b_ref[...]
         + jnp.dot(x_ref[...], wr_ref[...], preferred_element_type=jnp.float32))
    o_ref[...] = jnp.maximum(h, 0.0) if relu else h


def _tc_update(pacc, pcnt, x, W_l, b_l, W_r, relu):
    return pl.pallas_call(
        functools.partial(_tc_update_body, relu), grid=(N // _BN,),
        in_specs=[*_ROW_SPECS, _W_SPEC, _B_SPEC, _W_SPEC],
        out_specs=_OUT_SPEC, out_shape=_OUT_SHAPE,
    )(pacc, pcnt, x, W_l, b_l.reshape(1, D), W_r)


def kernel(x, edge_index, W1_l, b1_l, W1_r, W2_l, b2_l, W2_r):
    ei = edge_index.astype(jnp.int32)
    src3 = ei[0].reshape(NW, NBLK, KB, CHUNK)
    dst3 = ei[1].reshape(NW, NBLK, KB, CHUNK)
    z128 = jnp.zeros((ROWS_PER_TILE, D), jnp.float32)
    z16 = jnp.zeros((ROWS_PER_TILE, 16), jnp.float32)
    ones16 = jnp.ones((CHUNK, 16), jnp.float32)

    pacc1, pcnt = _sc_agg_count(x, src3, dst3, z128, z16, ones16)
    h = _tc_update(pacc1, pcnt, x, W1_l, b1_l, W1_r, relu=True)
    pacc2 = _sc_agg(h, src3, dst3, z128)
    return _tc_update(pacc2, pcnt, h, W2_l, b2_l, W2_r, relu=False)

# --- scband reference (transcript-rebuilt; emitter-appended) ---
"""Pipeline reference for scband-graph-sage-46050639348070 (READ-ONLY COPY).

The authoritative reference and input builder live on the scoring server;
editing this copy changes nothing except your own understanding.
"""

import jax, jax.numpy as jnp
import numpy as np

N = 10000
E = 320000
D = 128

def setup_inputs(seed: int = 0) -> dict:
    key = jax.random.key(seed)
    ks = jax.random.split(key, 8)
    x = jax.random.normal(ks[0], (N, D), dtype=jnp.float32)
    edge_index = jax.random.randint(ks[1], (2, E), 0, N, dtype=jnp.int64)
    s = 1.0 / np.sqrt(D)
    W1_l = jax.random.uniform(ks[2], (D, D), dtype=jnp.float32, minval=-s, maxval=s)
    b1_l = jax.random.uniform(ks[3], (D,), dtype=jnp.float32, minval=-s, maxval=s)
    W1_r = jax.random.uniform(ks[4], (D, D), dtype=jnp.float32, minval=-s, maxval=s)
    W2_l = jax.random.uniform(ks[5], (D, D), dtype=jnp.float32, minval=-s, maxval=s)
    b2_l = jax.random.uniform(ks[6], (D,), dtype=jnp.float32, minval=-s, maxval=s)
    W2_r = jax.random.uniform(ks[7], (D, D), dtype=jnp.float32, minval=-s, maxval=s)
    return {"x": x, "edge_index": edge_index, "W1_l": W1_l, "b1_l": b1_l, "W1_r": W1_r, "W2_l": W2_l, "b2_l": b2_l, "W2_r": W2_r}

def _sage_conv(x, edge_index, W_l, b_l, W_r):
    src = edge_index[0]
    dst = edge_index[1]
    msg = jnp.take(x, src, axis=0)
    agg_sum = jax.ops.segment_sum(msg, dst, num_segments=N)
    deg = jax.ops.segment_sum(jnp.ones((msg.shape[0],), dtype=x.dtype), dst, num_segments=N)
    agg = agg_sum / jnp.clip(deg, 1.0, None)[:, None]
    return agg @ W_l + b_l + x @ W_r

def reference(x, edge_index, W1_l, b1_l, W1_r, W2_l, b2_l, W2_r):
    # layer 1 + relu (dropout is identity in eval mode)
    h = _sage_conv(x, edge_index, W1_l, b1_l, W1_r)
    h = jax.nn.relu(h)
    # layer 2 (final, no activation)
    out = _sage_conv(h, edge_index, W2_l, b2_l, W2_r)
    return out

if __name__ == "__main__":
    import jax
    _d = setup_inputs()
    print(jax.jit(kernel)(*tuple(_d.values())))

</pallas_src>

<mosaic_0001>
#map = affine_map<(d0, d1) -> (0, 0)>
#map1 = affine_map<(d0, d1) -> (0, 0, 0, 0)>
#map2 = affine_map<(d0, d1) -> (0, 0, 0)>
module attributes {stable_mosaic.version = 14 : i64} {
  func.func @_sc_agg_body(%arg0: i32, %arg1: i32, %arg2: memref<10000x128xf32, #tpu.memory_space<hbm>>, %arg3: memref<32x5x25x80xi32, #tpu.memory_space<hbm>>, %arg4: memref<32x5x25x80xi32, #tpu.memory_space<hbm>>, %arg5: memref<625x128xf32, #tpu.memory_space<hbm>>, %arg6: memref<2x10000x128xf32, #tpu.memory_space<hbm>>, %arg7: memref<2x25x80xi32, #tpu.memory_space<vmem>>, %arg8: memref<2x25x80xi32, #tpu.memory_space<vmem>>, %arg9: memref<3x80x128xf32, #tpu.memory_space<vmem>>, %arg10: memref<10000x128xf32, #tpu.memory_space<vmem_shared>>, %arg11: memref<2x!tpu.dma_semaphore, #tpu.memory_space<semaphore_mem>>, %arg12: memref<3x!tpu.dma_semaphore, #tpu.memory_space<semaphore_mem>>, %arg13: memref<3x!tpu.dma_semaphore, #tpu.memory_space<semaphore_mem>>) attributes {dimension_semantics = [#tpu.dimension_semantics<core_parallel>, #tpu.dimension_semantics<subcore_parallel>], iteration_bounds = array<i64: 2, 16>, scalar_prefetch = 0 : i64, scratch_operands = 7 : i64, tpu.core_type = #tpu.core_type<sc_vector_subcore>, window_params = [{transform_indices = #map}, {transform_indices = #map1}, {transform_indices = #map1}, {transform_indices = #map}, {transform_indices = #map2}]} {
    %mul3A = arith.constant 2 : i32
    %mul3A_0 = arith.muli %arg1, %mul3A : i32
    %add3A = arith.addi %mul3A_0, %arg0 : i32
    %mul3A_1 = arith.constant 625 : i32
    %mul3A_2 = arith.muli %arg1, %mul3A_1 : i32
    %dma_start3A = arith.constant 0 : i32
    %dma_start3A_3 = arith.constant 0 : i32
    %dma_start3A_4 = arith.constant 0 : i32
    %dma_start3A_5 = arith.constant 0 : i32
    %dma_start3A_6 = arith.constant 0 : i32
    %dma_start3A_7 = tpu.memref_slice %arg7[%dma_start3A_3, %dma_start3A_5, %dma_start3A_6] : memref<2x25x80xi32, #tpu.memory_space<vmem>> -> memref<1x25x80xi32, #tpu.memory_space<vmem>>
    %dma_start3A_8 = tpu.memref_squeeze %dma_start3A_7 : memref<1x25x80xi32, #tpu.memory_space<vmem>> -> memref<25x80xi32, #tpu.memory_space<vmem>>
    %dma_start3A_9 = arith.constant 0 : i32
    %dma_start3A_10 = arith.constant 0 : i32
    %dma_start3A_11 = tpu.memref_slice %arg3[%add3A, %dma_start3A, %dma_start3A_9, %dma_start3A_10] : memref<32x5x25x80xi32, #tpu.memory_space<hbm>> -> memref<1x1x25x80xi32, #tpu.memory_space<hbm>>
    %dma_start3A_12 = tpu.memref_squeeze %dma_start3A_11 : memref<1x1x25x80xi32, #tpu.memory_space<hbm>> -> memref<25x80xi32, #tpu.memory_space<hbm>>
    %dma_start3A_13 = tpu.memref_slice %arg11[%dma_start3A_4] : memref<2x!tpu.dma_semaphore, #tpu.memory_space<semaphore_mem>> -> memref<1x!tpu.dma_semaphore, #tpu.memory_space<semaphore_mem>>
    %dma_start3A_14 = tpu.memref_squeeze %dma_start3A_13 : memref<1x!tpu.dma_semaphore, #tpu.memory_space<semaphore_mem>> -> memref<!tpu.dma_semaphore, #tpu.memory_space<semaphore_mem>>
    %dma_start3A_15 = arith.constant 0 : i32
    %dma_start3A_16 = arith.constant 0 : i32
    %dma_start3A_17 = tpu.memref_slice %arg7[%dma_start3A_3, %dma_start3A_15, %dma_start3A_16] : memref<2x25x80xi32, #tpu.memory_space<vmem>> -> memref<1x25x80xi32, #tpu.memory_space<vmem>>
    %dma_start3A_18 = tpu.memref_squeeze %dma_start3A_17 : memref<1x25x80xi32, #tpu.memory_space<vmem>> -> memref<25x80xi32, #tpu.memory_space<vmem>>
    %dma_start3A_19 = arith.constant 0 : i32
    %dma_start3A_20 = arith.constant 0 : i32
    %dma_start3A_21 = tpu.memref_slice %arg3[%add3A, %dma_start3A, %dma_start3A_19, %dma_start3A_20] : memref<32x5x25x80xi32, #tpu.memory_space<hbm>> -> memref<1x1x25x80xi32, #tpu.memory_space<hbm>>
    %dma_start3A_22 = tpu.memref_squeeze %dma_start3A_21 : memref<1x1x25x80xi32, #tpu.memory_space<hbm>> -> memref<25x80xi32, #tpu.memory_space<hbm>>
    tpu.enqueue_dma source(%dma_start3A_22 : memref<25x80xi32, #tpu.memory_space<hbm>>) target(%dma_start3A_18 : memref<25x80xi32, #tpu.memory_space<vmem>>) target_semaphore(%dma_start3A_14 : memref<!tpu.dma_semaphore, #tpu.memory_space<semaphore_mem>>)
    %dma_start3A_23 = arith.constant 0 : i32
    %dma_start3A_24 = arith.constant 0 : i32
    %dma_start3A_25 = arith.constant 0 : i32
    %dma_start3A_26 = arith.constant 0 : i32
    %dma_start3A_27 = arith.constant 0 : i32
    %dma_start3A_28 = tpu.memref_slice %arg8[%dma_start3A_24, %dma_start3A_26, %dma_start3A_27] : memref<2x25x80xi32, #tpu.memory_space<vmem>> -> memref<1x25x80xi32, #tpu.memory_space<vmem>>
    %dma_start3A_29 = tpu.memref_squeeze %dma_start3A_28 : memref<1x25x80xi32, #tpu.memory_space<vmem>> -> memref<25x80xi32, #tpu.memory_space<vmem>>
    %dma_start3A_30 = arith.constant 0 : i32
    %dma_start3A_31 = arith.constant 0 : i32
    %dma_start3A_32 = tpu.memref_slice %arg4[%add3A, %dma_start3A_23, %dma_start3A_30, %dma_start3A_31] : memref<32x5x25x80xi32, #tpu.memory_space<hbm>> -> memref<1x1x25x80xi32, #tpu.memory_space<hbm>>
    %dma_start3A_33 = tpu.memref_squeeze %dma_start3A_32 : memref<1x1x25x80xi32, #tpu.memory_space<hbm>> -> memref<25x80xi32, #tpu.memory_space<hbm>>
    %dma_start3A_34 = tpu.memref_slice %arg11[%dma_start3A_25] : memref<2x!tpu.dma_semaphore, #tpu.memory_space<semaphore_mem>> -> memref<1x!tpu.dma_semaphore, #tpu.memory_space<semaphore_mem>>
    %dma_start3A_35 = tpu.memref_squeeze %dma_start3A_34 : memref<1x!tpu.dma_semaphore, #tpu.memory_space<semaphore_mem>> -> memref<!tpu.dma_semaphore, #tpu.memory_space<semaphore_mem>>
    %dma_start3A_36 = arith.constant 0 : i32
    %dma_start3A_37 = arith.constant 0 : i32
    %dma_start3A_38 = tpu.memref_slice %arg8[%dma_start3A_24, %dma_start3A_36, %dma_start3A_37] : memref<2x25x80xi32, #tpu.memory_space<vmem>> -> memref<1x25x80xi32, #tpu.memory_space<vmem>>
    %dma_start3A_39 = tpu.memref_squeeze %dma_start3A_38 : memref<1x25x80xi32, #tpu.memory_space<vmem>> -> memref<25x80xi32, #tpu.memory_space<vmem>>
    %dma_start3A_40 = arith.constant 0 : i32
    %dma_start3A_41 = arith.constant 0 : i32
    %dma_start3A_42 = tpu.memref_slice %arg4[%add3A, %dma_start3A_23, %dma_start3A_40, %dma_start3A_41] : memref<32x5x25x80xi32, #tpu.memory_space<hbm>> -> memref<1x1x25x80xi32, #tpu.memory_space<hbm>>
    %dma_start3A_43 = tpu.memref_squeeze %dma_start3A_42 : memref<1x1x25x80xi32, #tpu.memory_space<hbm>> -> memref<25x80xi32, #tpu.memory_space<hbm>>
    tpu.enqueue_dma source(%dma_start3A_43 : memref<25x80xi32, #tpu.memory_space<hbm>>) target(%dma_start3A_39 : memref<25x80xi32, #tpu.memory_space<vmem>>) target_semaphore(%dma_start3A_35 : memref<!tpu.dma_semaphore, #tpu.memory_space<semaphore_mem>>)
    %dma_start3A_44 = arith.constant 1 : i32
    %dma_start3A_45 = arith.constant 1 : i32
    %dma_start3A_46 = arith.constant 1 : i32
    %dma_start3A_47 = arith.constant 0 : i32
    %dma_start3A_48 = arith.constant 0 : i32
    %dma_start3A_49 = tpu.memref_slice %arg7[%dma_start3A_45, %dma_start3A_47, %dma_start3A_48] : memref<2x25x80xi32, #tpu.memory_space<vmem>> -> memref<1x25x80xi32, #tpu.memory_space<vmem>>
    %dma_start3A_50 = tpu.memref_squeeze %dma_start3A_49 : memref<1x25x80xi32, #tpu.memory_space<vmem>> -> memref<25x80xi32, #tpu.memory_space<vmem>>
    %dma_start3A_51 = arith.constant 0 : i32
    %dma_start3A_52 = arith.constant 0 : i32
    %dma_start3A_53 = tpu.memref_slice %arg3[%add3A, %dma_start3A_44, %dma_start3A_51, %dma_start3A_52] : memref<32x5x25x80xi32, #tpu.memory_space<hbm>> -> memref<1x1x25x80xi32, #tpu.memory_space<hbm>>
    %dma_start3A_54 = tpu.memref_squeeze %dma_start3A_53 : memref<1x1x25x80xi32, #tpu.memory_space<hbm>> -> memref<25x80xi32, #tpu.memory_space<hbm>>
    %dma_start3A_55 = tpu.memref_slice %arg11[%dma_start3A_46] : memref<2x!tpu.dma_semaphore, #tpu.memory_space<semaphore_mem>> -> memref<1x!tpu.dma_semaphore, #tpu.memory_space<semaphore_mem>>
    %dma_start3A_56 = tpu.memref_squeeze %dma_start3A_55 : memref<1x!tpu.dma_semaphore, #tpu.memory_space<semaphore_mem>> -> memref<!tpu.dma_semaphore, #tpu.memory_space<semaphore_mem>>
    %dma_start3A_57 = arith.constant 0 : i32
    %dma_start3A_58 = arith.constant 0 : i32
    %dma_start3A_59 = tpu.memref_slice %arg7[%dma_start3A_45, %dma_start3A_57, %dma_start3A_58] : memref<2x25x80xi32, #tpu.memory_space<vmem>> -> memref<1x25x80xi32, #tpu.memory_space<vmem>>
    %dma_start3A_60 = tpu.memref_squeeze %dma_start3A_59 : memref<1x25x80xi32, #tpu.memory_space<vmem>> -> memref<25x80xi32, #tpu.memory_space<vmem>>
    %dma_start3A_61 = arith.constant 0 : i32
    %dma_start3A_62 = arith.constant 0 : i32
    %dma_start3A_63 = tpu.memref_slice %arg3[%add3A, %dma_start3A_44, %dma_start3A_61, %dma_start3A_62] : memref<32x5x25x80xi32, #tpu.memory_space<hbm>> -> memref<1x1x25x80xi32, #tpu.memory_space<hbm>>
    %dma_start3A_64 = tpu.memref_squeeze %dma_start3A_63 : memref<1x1x25x80xi32, #tpu.memory_space<hbm>> -> memref<25x80xi32, #tpu.memory_space<hbm>>
    tpu.enqueue_dma source(%dma_start3A_64 : memref<25x80xi32, #tpu.memory_space<hbm>>) target(%dma_start3A_60 : memref<25x80xi32, #tpu.memory_space<vmem>>) target_semaphore(%dma_start3A_56 : memref<!tpu.dma_semaphore, #tpu.memory_space<semaphore_mem>>)
    %dma_start3A_65 = arith.constant 1 : i32
    %dma_start3A_66 = arith.constant 1 : i32
    %dma_start3A_67 = arith.constant 1 : i32
    %dma_start3A_68 = arith.constant 0 : i32
    %dma_start3A_69 = arith.constant 0 : i32
    %dma_start3A_70 = tpu.memref_slice %arg8[%dma_start3A_66, %dma_start3A_68, %dma_start3A_69] : memref<2x25x80xi32, #tpu.memory_space<vmem>> -> memref<1x25x80xi32, #tpu.memory_space<vmem>>
    %dma_start3A_71 = tpu.memref_squeeze %dma_start3A_70 : memref<1x25x80xi32, #tpu.memory_space<vmem>> -> memref<25x80xi32, #tpu.memory_space<vmem>>
    %dma_start3A_72 = arith.constant 0 : i32
    %dma_start3A_73 = arith.constant 0 : i32
    %dma_start3A_74 = tpu.memref_slice %arg4[%add3A, %dma_start3A_65, %dma_start3A_72, %dma_start3A_73] : memref<32x5x25x80xi32, #tpu.memory_space<hbm>> -> memref<1x1x25x80xi32, #tpu.memory_space<hbm>>
    %dma_start3A_75 = tpu.memref_squeeze %dma_start3A_74 : memref<1x1x25x80xi32, #tpu.memory_space<hbm>> -> memref<25x80xi32, #tpu.memory_space<hbm>>
    %dma_start3A_76 = tpu.memref_slice %arg11[%dma_start3A_67] : memref<2x!tpu.dma_semaphore, #tpu.memory_space<semaphore_mem>> -> memref<1x!tpu.dma_semaphore, #tpu.memory_space<semaphore_mem>>
    %dma_start3A_77 = tpu.memref_squeeze %dma_start3A_76 : memref<1x!tpu.dma_semaphore, #tpu.memory_space<semaphore_mem>> -> memref<!tpu.dma_semaphore, #tpu.memory_space<semaphore_mem>>
    %dma_start3A_78 = arith.constant 0 : i32
    %dma_start3A_79 = arith.constant 0 : i32
    %dma_start3A_80 = tpu.memref_slice %arg8[%dma_start3A_66, %dma_start3A_78, %dma_start3A_79] : memref<2x25x80xi32, #tpu.memory_space<vmem>> -> memref<1x25x80xi32, #tpu.memory_space<vmem>>
    %dma_start3A_81 = tpu.memref_squeeze %dma_start3A_80 : memref<1x25x80xi32, #tpu.memory_space<vmem>> -> memref<25x80xi32, #tpu.memory_space<vmem>>
    %dma_start3A_82 = arith.constant 0 : i32
    %dma_start3A_83 = arith.constant 0 : i32
    %dma_start3A_84 = tpu.memref_slice %arg4[%add3A, %dma_start3A_65, %dma_start3A_82, %dma_start3A_83] : memref<32x5x25x80xi32, #tpu.memory_space<hbm>> -> memref<1x1x25x80xi32, #tpu.memory_space<hbm>>
    %dma_start3A_85 = tpu.memref_squeeze %dma_start3A_84 : memref<1x1x25x80xi32, #tpu.memory_space<hbm>> -> memref<25x80xi32, #tpu.memory_space<hbm>>
    tpu.enqueue_dma source(%dma_start3A_85 : memref<25x80xi32, #tpu.memory_space<hbm>>) target(%dma_start3A_81 : memref<25x80xi32, #tpu.memory_space<vmem>>) target_semaphore(%dma_start3A_77 : memref<!tpu.dma_semaphore, #tpu.memory_space<semaphore_mem>>)
    "tpu.region"() ({
      %run_scoped3A = tpu.sem_alloc : memref<!tpu.dma_semaphore, #tpu.memory_space<semaphore_mem>>
      %dma_start3A_198 = arith.constant 0 : i32
      %dma_start3A_199 = tpu.memref_slice %arg10[%mul3A_2, %dma_start3A_198] : memref<10000x128xf32, #tpu.memory_space<vmem_shared>> -> memref<625x128xf32, #tpu.memory_space<vmem_shared>>
      tpu.enqueue_dma source(%arg5 : memref<625x128xf32, #tpu.memory_space<hbm>>) target(%dma_start3A_199 : memref<625x128xf32, #tpu.memory_space<vmem_shared>>) target_semaphore(%run_scoped3A : memref<!tpu.dma_semaphore, #tpu.memory_space<semaphore_mem>>)
      %dma_wait3A_200 = arith.constant 0 : i32
      %dma_wait3A_201 = tpu.memref_slice %arg10[%mul3A_2, %dma_wait3A_200] : memref<10000x128xf32, #tpu.memory_space<vmem_shared>> -> memref<625x128xf32, #tpu.memory_space<vmem_shared>>
      tpu.wait_dma2 semaphore(%run_scoped3A : memref<!tpu.dma_semaphore, #tpu.memory_space<semaphore_mem>>) src(%arg5 : memref<625x128xf32, #tpu.memory_space<hbm>>) dst(%dma_wait3A_201 : memref<625x128xf32, #tpu.memory_space<vmem_shared>>)
      tpu.yield
    }) : () -> ()
    %dma_wait3A = arith.constant 0 : i32
    %dma_wait3A_86 = arith.constant 0 : i32
    %dma_wait3A_87 = arith.constant 0 : i32
    %dma_wait3A_88 = arith.constant 0 : i32
    %dma_wait3A_89 = arith.constant 0 : i32
    %dma_wait3A_90 = arith.constant 0 : i32
    %dma_wait3A_91 = tpu.memref_slice %arg7[%dma_wait3A_87, %dma_wait3A_89, %dma_wait3A_90] : memref<2x25x80xi32, #tpu.memory_space<vmem>> -> memref<1x25x80xi32, #tpu.memory_space<vmem>>
    %dma_wait3A_92 = tpu.memref_squeeze %dma_wait3A_91 : memref<1x25x80xi32, #tpu.memory_space<vmem>> -> memref<25x80xi32, #tpu.memory_space<vmem>>
    %dma_wait3A_93 = arith.constant 0 : i32
    %dma_wait3A_94 = arith.constant 0 : i32
    %dma_wait3A_95 = tpu.memref_slice %arg3[%dma_wait3A, %dma_wait3A_86, %dma_wait3A_93, %dma_wait3A_94] : memref<32x5x25x80xi32, #tpu.memory_space<hbm>> -> memref<1x1x25x80xi32, #tpu.memory_space<hbm>>
    %dma_wait3A_96 = tpu.memref_squeeze %dma_wait3A_95 : memref<1x1x25x80xi32, #tpu.memory_space<hbm>> -> memref<25x80xi32, #tpu.memory_space<hbm>>
    %dma_wait3A_97 = tpu.memref_slice %arg11[%dma_wait3A_88] : memref<2x!tpu.dma_semaphore, #tpu.memory_space<semaphore_mem>> -> memref<1x!tpu.dma_semaphore, #tpu.memory_space<semaphore_mem>>
    %dma_wait3A_98 = tpu.memref_squeeze %dma_wait3A_97 : memref<1x!tpu.dma_semaphore, #tpu.memory_space<semaphore_mem>> -> memref<!tpu.dma_semaphore, #tpu.memory_space<semaphore_mem>>
    %dma_wait3A_99 = arith.constant 0 : i32
    %dma_wait3A_100 = arith.constant 0 : i32
    %dma_wait3A_101 = tpu.memref_slice %arg7[%dma_wait3A_87, %dma_wait3A_99, %dma_wait3A_100] : memref<2x25x80xi32, #tpu.memory_space<vmem>> -> memref<1x25x80xi32, #tpu.memory_space<vmem>>
    %dma_wait3A_102 = tpu.memref_squeeze %dma_wait3A_101 : memref<1x25x80xi32, #tpu.memory_space<vmem>> -> memref<25x80xi32, #tpu.memory_space<vmem>>
    %dma_wait3A_103 = arith.constant 0 : i32
    %dma_wait3A_104 = arith.constant 0 : i32
    %dma_wait3A_105 = tpu.memref_slice %arg3[%dma_wait3A, %dma_wait3A_86, %dma_wait3A_103, %dma_wait3A_104] : memref<32x5x25x80xi32, #tpu.memory_space<hbm>> -> memref<1x1x25x80xi32, #tpu.memory_space<hbm>>
    %dma_wait3A_106 = tpu.memref_squeeze %dma_wait3A_105 : memref<1x1x25x80xi32, #tpu.memory_space<hbm>> -> memref<25x80xi32, #tpu.memory_space<hbm>>
    tpu.wait_dma2 semaphore(%dma_wait3A_98 : memref<!tpu.dma_semaphore, #tpu.memory_space<semaphore_mem>>) src(%dma_wait3A_106 : memref<25x80xi32, #tpu.memory_space<hbm>>) dst(%dma_wait3A_102 : memref<25x80xi32, #tpu.memory_space<vmem>>)
    %dma_wait3A_107 = arith.constant 0 : i32
    %dma_wait3A_108 = arith.constant 0 : i32
    %dma_wait3A_109 = arith.constant 0 : i32
    %dma_wait3A_110 = arith.constant 0 : i32
    %dma_wait3A_111 = arith.constant 0 : i32
    %dma_wait3A_112 = arith.constant 0 : i32
    %dma_wait3A_113 = tpu.memref_slice %arg8[%dma_wait3A_109, %dma_wait3A_111, %dma_wait3A_112] : memref<2x25x80xi32, #tpu.memory_space<vmem>> -> memref<1x25x80xi32, #tpu.memory_space<vmem>>
    %dma_wait3A_114 = tpu.memref_squeeze %dma_wait3A_113 : memref<1x25x80xi32, #tpu.memory_space<vmem>> -> memref<25x80xi32, #tpu.memory_space<vmem>>
    %dma_wait3A_115 = arith.constant 0 : i32
    %dma_wait3A_116 = arith.constant 0 : i32
    %dma_wait3A_117 = tpu.memref_slice %arg4[%dma_wait3A_107, %dma_wait3A_108, %dma_wait3A_115, %dma_wait3A_116] : memref<32x5x25x80xi32, #tpu.memory_space<hbm>> -> memref<1x1x25x80xi32, #tpu.memory_space<hbm>>
    %dma_wait3A_118 = tpu.memref_squeeze %dma_wait3A_117 : memref<1x1x25x80xi32, #tpu.memory_space<hbm>> -> memref<25x80xi32, #tpu.memory_space<hbm>>
    %dma_wait3A_119 = tpu.memref_slice %arg11[%dma_wait3A_110] : memref<2x!tpu.dma_semaphore, #tpu.memory_space<semaphore_mem>> -> memref<1x!tpu.dma_semaphore, #tpu.memory_space<semaphore_mem>>
    %dma_wait3A_120 = tpu.memref_squeeze %dma_wait3A_119 : memref<1x!tpu.dma_semaphore, #tpu.memory_space<semaphore_mem>> -> memref<!tpu.dma_semaphore, #tpu.memory_space<semaphore_mem>>
    %dma_wait3A_121 = arith.constant 0 : i32
    %dma_wait3A_122 = arith.constant 0 : i32
    %dma_wait3A_123 = tpu.memref_slice %arg8[%dma_wait3A_109, %dma_wait3A_121, %dma_wait3A_122] : memref<2x25x80xi32, #tpu.memory_space<vmem>> -> memref<1x25x80xi32, #tpu.memory_space<vmem>>
    %dma_wait3A_124 = tpu.memref_squeeze %dma_wait3A_123 : memref<1x25x80xi32, #tpu.memory_space<vmem>> -> memref<25x80xi32, #tpu.memory_space<vmem>>
    %dma_wait3A_125 = arith.constant 0 : i32
    %dma_wait3A_126 = arith.constant 0 : i32
    %dma_wait3A_127 = tpu.memref_slice %arg4[%dma_wait3A_107, %dma_wait3A_108, %dma_wait3A_125, %dma_wait3A_126] : memref<32x5x25x80xi32, #tpu.memory_space<hbm>> -> memref<1x1x25x80xi32, #tpu.memory_space<hbm>>
    %dma_wait3A_128 = tpu.memref_squeeze %dma_wait3A_127 : memref<1x1x25x80xi32, #tpu.memory_space<hbm>> -> memref<25x80xi32, #tpu.memory_space<hbm>>
    tpu.wait_dma2 semaphore(%dma_wait3A_120 : memref<!tpu.dma_semaphore, #tpu.memory_space<semaphore_mem>>) src(%dma_wait3A_128 : memref<25x80xi32, #tpu.memory_space<hbm>>) dst(%dma_wait3A_124 : memref<25x80xi32, #tpu.memory_space<vmem>>)
    %div3A = arith.constant 0 : i32
    %div3A_129 = arith.constant 25 : i32
    %div3A_130 = arith.divsi %div3A, %div3A_129 : i32
    %rem3A = arith.constant 2 : i32
    %rem3A_131 = arith.remsi %div3A_130, %rem3A : i32
    %rem3A_132 = arith.constant 0 : i32
    %rem3A_133 = arith.constant 25 : i32
    %rem3A_134 = arith.remsi %rem3A_132, %rem3A_133 : i32
    %rem3A_135 = arith.constant 0 : i32
    %rem3A_136 = arith.constant 3 : i32
    %rem3A_137 = arith.remsi %rem3A_135, %rem3A_136 : i32
    %dma_start3A_138 = arith.constant 0 : i32
    %dma_start3A_139 = arith.constant 0 : i32
    %dma_start3A_140 = tpu.memref_slice %arg9[%rem3A_137, %dma_start3A_138, %dma_start3A_139] : memref<3x80x128xf32, #tpu.memory_space<vmem>> -> memref<1x80x128xf32, #tpu.memory_space<vmem>>
    %dma_start3A_141 = tpu.memref_squeeze %dma_start3A_140 : memref<1x80x128xf32, #tpu.memory_space<vmem>> -> memref<80x128xf32, #tpu.memory_space<vmem>>
    %dma_start3A_142 = arith.constant 0 : i32
    %dma_start3A_143 = tpu.memref_slice %arg7[%rem3A_131, %rem3A_134, %dma_start3A_142] : memref<2x25x80xi32, #tpu.memory_space<vmem>> -> memref<1x1x80xi32, #tpu.memory_space<vmem>>
    %dma_start3A_144 = tpu.memref_squeeze %dma_start3A_143 : memref<1x1x80xi32, #tpu.memory_space<vmem>> -> memref<80xi32, #tpu.memory_space<vmem>>
    %dma_start3A_145 = arith.constant 0 : i32
    %dma_start3A_146 = arith.constant 0 : i32
    %dma_start3A_147 = tpu.memref_slice %arg2[%dma_start3A_145, %dma_start3A_146] : memref<10000x128xf32, #tpu.memory_space<hbm>> -> memref<10000x128xf32, #tpu.memory_space<hbm>>
    %dma_start3A_148 = tpu.memref_slice %arg12[%rem3A_137] : memref<3x!tpu.dma_semaphore, #tpu.memory_space<semaphore_mem>> -> memref<1x!tpu.dma_semaphore, #tpu.memory_space<semaphore_mem>>
    %dma_start3A_149 = tpu.memref_squeeze %dma_start3A_148 : memref<1x!tpu.dma_semaphore, #tpu.memory_space<semaphore_mem>> -> memref<!tpu.dma_semaphore, #tpu.memory_space<semaphore_mem>>
    tpu.enqueue_indirect_dma source(%dma_start3A_147 : memref<10000x128xf32, #tpu.memory_space<hbm>>) target(%dma_start3A_141 : memref<80x128xf32, #tpu.memory_space<vmem>>) offsets(%dma_start3A_144 : memref<80xi32, #tpu.memory_space<vmem>>) semaphore(%dma_start3A_149 : memref<!tpu.dma_semaphore, #tpu.memory_space<semaphore_mem>>)
    %div3A_150 = arith.constant 1 : i32
    %div3A_151 = arith.constant 25 : i32
    %div3A_152 = arith.divsi %div3A_150, %div3A_151 : i32
    %rem3A_153 = arith.constant 2 : i32
    %rem3A_154 = arith.remsi %div3A_152, %rem3A_153 : i32
    %rem3A_155 = arith.constant 1 : i32
    %rem3A_156 = arith.constant 25 : i32
    %rem3A_157 = arith.remsi %rem3A_155, %rem3A_156 : i32
    %rem3A_158 = arith.constant 1 : i32
    %rem3A_159 = arith.constant 3 : i32
    %rem3A_160 = arith.remsi %rem3A_158, %rem3A_159 : i32
    %dma_start3A_161 = arith.constant 0 : i32
    %dma_start3A_162 = arith.constant 0 : i32
    %dma_start3A_163 = tpu.memref_slice %arg9[%rem3A_160, %dma_start3A_161, %dma_start3A_162] : memref<3x80x128xf32, #tpu.memory_space<vmem>> -> memref<1x80x128xf32, #tpu.memory_space<vmem>>
    %dma_start3A_164 = tpu.memref_squeeze %dma_start3A_163 : memref<1x80x128xf32, #tpu.memory_space<vmem>> -> memref<80x128xf32, #tpu.memory_space<vmem>>
    %dma_start3A_165 = arith.constant 0 : i32
    %dma_start3A_166 = tpu.memref_slice %arg7[%rem3A_154, %rem3A_157, %dma_start3A_165] : memref<2x25x80xi32, #tpu.memory_space<vmem>> -> memref<1x1x80xi32, #tpu.memory_space<vmem>>
    %dma_start3A_167 = tpu.memref_squeeze %dma_start3A_166 : memref<1x1x80xi32, #tpu.memory_space<vmem>> -> memref<80xi32, #tpu.memory_space<vmem>>
    %dma_start3A_168 = arith.constant 0 : i32
    %dma_start3A_169 = arith.constant 0 : i32
    %dma_start3A_170 = tpu.memref_slice %arg2[%dma_start3A_168, %dma_start3A_169] : memref<10000x128xf32, #tpu.memory_space<hbm>> -> memref<10000x128xf32, #tpu.memory_space<hbm>>
    %dma_start3A_171 = tpu.memref_slice %arg12[%rem3A_160] : memref<3x!tpu.dma_semaphore, #tpu.memory_space<semaphore_mem>> -> memref<1x!tpu.dma_semaphore, #tpu.memory_space<semaphore_mem>>
    %dma_start3A_172 = tpu.memref_squeeze %dma_start3A_171 : memref<1x!tpu.dma_semaphore, #tpu.memory_space<semaphore_mem>> -> memref<!tpu.dma_semaphore, #tpu.memory_space<semaphore_mem>>
    tpu.enqueue_indirect_dma source(%dma_start3A_170 : memref<10000x128xf32, #tpu.memory_space<hbm>>) target(%dma_start3A_164 : memref<80x128xf32, #tpu.memory_space<vmem>>) offsets(%dma_start3A_167 : memref<80xi32, #tpu.memory_space<vmem>>) semaphore(%dma_start3A_172 : memref<!tpu.dma_semaphore, #tpu.memory_space<semaphore_mem>>)
    %barrier3A = arith.constant 0 : index
    tpu.barrier barrier_id(%barrier3A)
    %scan3A = arith.constant 0 : i32
    %scan3A_173 = arith.constant 0 : i32
    %scan3A_174 = arith.constant 125 : i32
    %scan3A_175 = arith.addi %scan3A_173, %scan3A_174 : i32
    %scan3A_176 = arith.constant 1 : i32
    scf.for %scan3A_198 = %scan3A_173 to %scan3A_175 step %scan3A_176  : i32 {
      %rem3A_199 = arith.constant 3 : i32
      %rem3A_200 = arith.remsi %scan3A_198, %rem3A_199 : i32
      %dma_wait3A_201 = arith.constant 0 : i32
      %dma_wait3A_202 = arith.constant 0 : i32
      %dma_wait3A_203 = tpu.memref_slice %arg9[%rem3A_200, %dma_wait3A_201, %dma_wait3A_202] : memref<3x80x128xf32, #tpu.memory_space<vmem>> -> memref<1x80x128xf32, #tpu.memory_space<vmem>>
      %dma_wait3A_204 = tpu.memref_squeeze %dma_wait3A_203 : memref<1x80x128xf32, #tpu.memory_space<vmem>> -> memref<80x128xf32, #tpu.memory_space<vmem>>
      %dma_wait3A_205 = arith.constant 0 : i32
      %dma_wait3A_206 = arith.constant 0 : i32
      %dma_wait3A_207 = tpu.memref_slice %arg2[%dma_wait3A_205, %dma_wait3A_206] : memref<10000x128xf32, #tpu.memory_space<hbm>> -> memref<80x128xf32, #tpu.memory_space<hbm>>
      %dma_wait3A_208 = tpu.memref_slice %arg12[%rem3A_200] : memref<3x!tpu.dma_semaphore, #tpu.memory_space<semaphore_mem>> -> memref<1x!tpu.dma_semaphore, #tpu.memory_space<semaphore_mem>>
      %dma_wait3A_209 = tpu.memref_squeeze %dma_wait3A_208 : memref<1x!tpu.dma_semaphore, #tpu.memory_space<semaphore_mem>> -> memref<!tpu.dma_semaphore, #tpu.memory_space<semaphore_mem>>
      %dma_wait3A_210 = arith.constant 0 : i32
      %dma_wait3A_211 = arith.constant 0 : i32
      %dma_wait3A_212 = tpu.memref_slice %arg9[%rem3A_200, %dma_wait3A_210, %dma_wait3A_211] : memref<3x80x128xf32, #tpu.memory_space<vmem>> -> memref<1x80x128xf32, #tpu.memory_space<vmem>>
      %dma_wait3A_213 = tpu.memref_squeeze %dma_wait3A_212 : memref<1x80x128xf32, #tpu.memory_space<vmem>> -> memref<80x128xf32, #tpu.memory_space<vmem>>
      %dma_wait3A_214 = arith.constant 0 : i32
      %dma_wait3A_215 = arith.constant 0 : i32
      %dma_wait3A_216 = tpu.memref_slice %arg2[%dma_wait3A_214, %dma_wait3A_215] : memref<10000x128xf32, #tpu.memory_space<hbm>> -> memref<80x128xf32, #tpu.memory_space<hbm>>
      tpu.wait_dma2 semaphore(%dma_wait3A_209 : memref<!tpu.dma_semaphore, #tpu.memory_space<semaphore_mem>>) src(%dma_wait3A_216 : memref<80x128xf32, #tpu.memory_space<hbm>>) dst(%dma_wait3A_213 : memref<80x128xf32, #tpu.memory_space<vmem>>)
      %div3A_217 = arith.constant 25 : i32
      %div3A_218 = arith.divsi %scan3A_198, %div3A_217 : i32
      %rem3A_219 = arith.constant 2 : i32
      %rem3A_220 = arith.remsi %div3A_218, %rem3A_219 : i32
      %rem3A_221 = arith.constant 25 : i32
      %rem3A_222 = arith.remsi %scan3A_198, %rem3A_221 : i32
      %rem3A_223 = arith.constant 3 : i32
      %rem3A_224 = arith.remsi %scan3A_198, %rem3A_223 : i32
      %dma_start3A_225 = arith.constant 0 : i32
      %dma_start3A_226 = arith.constant 0 : i32
      %dma_start3A_227 = tpu.memref_slice %arg9[%rem3A_224, %dma_start3A_225, %dma_start3A_226] : memref<3x80x128xf32, #tpu.memory_space<vmem>> -> memref<1x80x128xf32, #tpu.memory_space<vmem>>
      %dma_start3A_228 = tpu.memref_squeeze %dma_start3A_227 : memref<1x80x128xf32, #tpu.memory_space<vmem>> -> memref<80x128xf32, #tpu.memory_space<vmem>>
      %dma_start3A_229 = arith.constant 0 : i32
      %dma_start3A_230 = tpu.memref_slice %arg8[%rem3A_220, %rem3A_222, %dma_start3A_229] : memref<2x25x80xi32, #tpu.memory_space<vmem>> -> memref<1x1x80xi32, #tpu.memory_space<vmem>>
      %dma_start3A_231 = tpu.memref_squeeze %dma_start3A_230 : memref<1x1x80xi32, #tpu.memory_space<vmem>> -> memref<80xi32, #tpu.memory_space<vmem>>
      %dma_start3A_232 = arith.constant 0 : i32
      %dma_start3A_233 = arith.constant 0 : i32
      %dma_start3A_234 = tpu.memref_slice %arg10[%dma_start3A_232, %dma_start3A_233] : memref<10000x128xf32, #tpu.memory_space<vmem_shared>> -> memref<10000x128xf32, #tpu.memory_space<vmem_shared>>
      %dma_start3A_235 = tpu.memref_slice %arg13[%rem3A_224] : memref<3x!tpu.dma_semaphore, #tpu.memory_space<semaphore_mem>> -> memref<1x!tpu.dma_semaphore, #tpu.memory_space<semaphore_mem>>
      %dma_start3A_236 = tpu.memref_squeeze %dma_start3A_235 : memref<1x!tpu.dma_semaphore, #tpu.memory_space<semaphore_mem>> -> memref<!tpu.dma_semaphore, #tpu.memory_space<semaphore_mem>>
      tpu.enqueue_indirect_dma source(%dma_start3A_228 : memref<80x128xf32, #tpu.memory_space<vmem>>) target(%dma_start3A_234 : memref<10000x128xf32, #tpu.memory_space<vmem_shared>>) offsets(%dma_start3A_231 : memref<80xi32, #tpu.memory_space<vmem>>) semaphore(%dma_start3A_236 : memref<!tpu.dma_semaphore, #tpu.memory_space<semaphore_mem>>) {add = true}
      %ge3A = arith.constant 1 : i32
      %ge3A_237 = arith.cmpi sge, %scan3A_198, %ge3A : i32
      %convert_element_type3A = arith.extui %ge3A_237 : i1 to i32
      %cond3A = arith.constant 0 : i32
      %cond3A_238 = arith.cmpi ne, %convert_element_type3A, %cond3A : i32
      scf.if %cond3A_238 {
        %sub3A = arith.constant 1 : i32
        %sub3A_273 = arith.subi %scan3A_198, %sub3A : i32
        %rem3A_274 = arith.constant 3 : i32
        %rem3A_275 = arith.remsi %sub3A_273, %rem3A_274 : i32
        %dma_wait3A_276 = arith.constant 0 : i32
        %dma_wait3A_277 = arith.constant 0 : i32
        %dma_wait3A_278 = tpu.memref_slice %arg9[%rem3A_275, %dma_wait3A_276, %dma_wait3A_277] : memref<3x80x128xf32, #tpu.memory_space<vmem>> -> memref<1x80x128xf32, #tpu.memory_space<vmem>>
        %dma_wait3A_279 = tpu.memref_squeeze %dma_wait3A_278 : memref<1x80x128xf32, #tpu.memory_space<vmem>> -> memref<80x128xf32, #tpu.memory_space<vmem>>
        %dma_wait3A_280 = arith.constant 0 : i32
        %dma_wait3A_281 = arith.constant 0 : i32
        %dma_wait3A_282 = tpu.memref_slice %arg10[%dma_wait3A_280, %dma_wait3A_281] : memref<10000x128xf32, #tpu.memory_space<vmem_shared>> -> memref<80x128xf32, #tpu.memory_space<vmem_shared>>
        %dma_wait3A_283 = tpu.memref_slice %arg13[%rem3A_275] : memref<3x!tpu.dma_semaphore, #tpu.memory_space<semaphore_mem>> -> memref<1x!tpu.dma_semaphore, #tpu.memory_space<semaphore_mem>>
        %dma_wait3A_284 = tpu.memref_squeeze %dma_wait3A_283 : memref<1x!tpu.dma_semaphore, #tpu.memory_space<semaphore_mem>> -> memref<!tpu.dma_semaphore, #tpu.memory_space<semaphore_mem>>
        %dma_wait3A_285 = arith.constant 0 : i32
        %dma_wait3A_286 = arith.constant 0 : i32
        %dma_wait3A_287 = tpu.memref_slice %arg10[%dma_wait3A_285, %dma_wait3A_286] : memref<10000x128xf32, #tpu.memory_space<vmem_shared>> -> memref<80x128xf32, #tpu.memory_space<vmem_shared>>
        %dma_wait3A_288 = arith.constant 0 : i32
        %dma_wait3A_289 = arith.constant 0 : i32
        %dma_wait3A_290 = tpu.memref_slice %arg9[%rem3A_275, %dma_wait3A_288, %dma_wait3A_289] : memref<3x80x128xf32, #tpu.memory_space<vmem>> -> memref<1x80x128xf32, #tpu.memory_space<vmem>>
        %dma_wait3A_291 = tpu.memref_squeeze %dma_wait3A_290 : memref<1x80x128xf32, #tpu.memory_space<vmem>> -> memref<80x128xf32, #tpu.memory_space<vmem>>
        tpu.wait_dma2 semaphore(%dma_wait3A_284 : memref<!tpu.dma_semaphore, #tpu.memory_space<semaphore_mem>>) src(%dma_wait3A_291 : memref<80x128xf32, #tpu.memory_space<vmem>>) dst(%dma_wait3A_287 : memref<80x128xf32, #tpu.memory_space<vmem_shared>>)
      } else {
      }
      %add3A_239 = arith.constant 2 : i32
      %add3A_240 = arith.addi %scan3A_198, %add3A_239 : i32
      %lt3A = arith.constant 125 : i32
      %lt3A_241 = arith.cmpi slt, %add3A_240, %lt3A : i32
      %add3A_242 = arith.constant 2 : i32
      %add3A_243 = arith.addi %scan3A_198, %add3A_242 : i32
      %rem3A_244 = arith.constant 25 : i32
      %rem3A_245 = arith.remsi %add3A_243, %rem3A_244 : i32
      %eq3A = arith.constant 0 : i32
      %eq3A_246 = arith.cmpi eq, %rem3A_245, %eq3A : i32
      %and3A = arith.andi %lt3A_241, %eq3A_246 : i1
      %convert_element_type3A_247 = arith.extui %and3A : i1 to i32
      %cond3A_248 = arith.constant 0 : i32
      %cond3A_249 = arith.cmpi ne, %convert_element_type3A_247, %cond3A_248 : i32
      scf.if %cond3A_249 {
        %add3A_273 = arith.constant 2 : i32
        %add3A_274 = arith.addi %scan3A_198, %add3A_273 : i32
        %div3A_275 = arith.constant 25 : i32
        %div3A_276 = arith.divsi %add3A_274, %div3A_275 : i32
        %rem3A_277 = arith.constant 2 : i32
        %rem3A_278 = arith.remsi %div3A_276, %rem3A_277 : i32
        %dma_wait3A_279 = arith.constant 0 : i32
        %dma_wait3A_280 = arith.constant 0 : i32
        %dma_wait3A_281 = arith.constant 0 : i32
        %dma_wait3A_282 = arith.constant 0 : i32
        %dma_wait3A_283 = tpu.memref_slice %arg7[%rem3A_278, %dma_wait3A_281, %dma_wait3A_282] : memref<2x25x80xi32, #tpu.memory_space<vmem>> -> memref<1x25x80xi32, #tpu.memory_space<vmem>>
        %dma_wait3A_284 = tpu.memref_squeeze %dma_wait3A_283 : memref<1x25x80xi32, #tpu.memory_space<vmem>> -> memref<25x80xi32, #tpu.memory_space<vmem>>
        %dma_wait3A_285 = arith.constant 0 : i32
        %dma_wait3A_286 = arith.constant 0 : i32
        %dma_wait3A_287 = tpu.memref_slice %arg3[%dma_wait3A_279, %dma_wait3A_280, %dma_wait3A_285, %dma_wait3A_286] : memref<32x5x25x80xi32, #tpu.memory_space<hbm>> -> memref<1x1x25x80xi32, #tpu.memory_space<hbm>>
        %dma_wait3A_288 = tpu.memref_squeeze %dma_wait3A_287 : memref<1x1x25x80xi32, #tpu.memory_space<hbm>> -> memref<25x80xi32, #tpu.memory_space<hbm>>
        %dma_wait3A_289 = tpu.memref_slice %arg11[%rem3A_278] : memref<2x!tpu.dma_semaphore, #tpu.memory_space<semaphore_mem>> -> memref<1x!tpu.dma_semaphore, #tpu.memory_space<semaphore_mem>>
        %dma_wait3A_290 = tpu.memref_squeeze %dma_wait3A_289 : memref<1x!tpu.dma_semaphore, #tpu.memory_space<semaphore_mem>> -> memref<!tpu.dma_semaphore, #tpu.memory_space<semaphore_mem>>
        %dma_wait3A_291 = arith.constant 0 : i32
        %dma_wait3A_292 = arith.constant 0 : i32
        %dma_wait3A_293 = tpu.memref_slice %arg7[%rem3A_278, %dma_wait3A_291, %dma_wait3A_292] : memref<2x25x80xi32, #tpu.memory_space<vmem>> -> memref<1x25x80xi32, #tpu.memory_space<vmem>>
        %dma_wait3A_294 = tpu.memref_squeeze %dma_wait3A_293 : memref<1x25x80xi32, #tpu.memory_space<vmem>> -> memref<25x80xi32, #tpu.memory_space<vmem>>
        %dma_wait3A_295 = arith.constant 0 : i32
        %dma_wait3A_296 = arith.constant 0 : i32
        %dma_wait3A_297 = tpu.memref_slice %arg3[%dma_wait3A_279, %dma_wait3A_280, %dma_wait3A_295, %dma_wait3A_296] : memref<32x5x25x80xi32, #tpu.memory_space<hbm>> -> memref<1x1x25x80xi32, #tpu.memory_space<hbm>>
        %dma_wait3A_298 = tpu.memref_squeeze %dma_wait3A_297 : memref<1x1x25x80xi32, #tpu.memory_space<hbm>> -> memref<25x80xi32, #tpu.memory_space<hbm>>
        tpu.wait_dma2 semaphore(%dma_wait3A_290 : memref<!tpu.dma_semaphore, #tpu.memory_space<semaphore_mem>>) src(%dma_wait3A_298 : memref<25x80xi32, #tpu.memory_space<hbm>>) dst(%dma_wait3A_294 : memref<25x80xi32, #tpu.memory_space<vmem>>)
        %dma_wait3A_299 = arith.constant 0 : i32
        %dma_wait3A_300 = arith.constant 0 : i32
        %dma_wait3A_301 = arith.constant 0 : i32
        %dma_wait3A_302 = arith.constant 0 : i32
        %dma_wait3A_303 = tpu.memref_slice %arg8[%rem3A_278, %dma_wait3A_301, %dma_wait3A_302] : memref<2x25x80xi32, #tpu.memory_space<vmem>> -> memref<1x25x80xi32, #tpu.memory_space<vmem>>
        %dma_wait3A_304 = tpu.memref_squeeze %dma_wait3A_303 : memref<1x25x80xi32, #tpu.memory_space<vmem>> -> memref<25x80xi32, #tpu.memory_space<vmem>>
        %dma_wait3A_305 = arith.constant 0 : i32
        %dma_wait3A_306 = arith.constant 0 : i32
        %dma_wait3A_307 = tpu.memref_slice %arg4[%dma_wait3A_299, %dma_wait3A_300, %dma_wait3A_305, %dma_wait3A_306] : memref<32x5x25x80xi32, #tpu.memory_space<hbm>> -> memref<1x1x25x80xi32, #tpu.memory_space<hbm>>
        %dma_wait3A_308 = tpu.memref_squeeze %dma_wait3A_307 : memref<1x1x25x80xi32, #tpu.memory_space<hbm>> -> memref<25x80xi32, #tpu.memory_space<hbm>>
        %dma_wait3A_309 = tpu.memref_slice %arg11[%rem3A_278] : memref<2x!tpu.dma_semaphore, #tpu.memory_space<semaphore_mem>> -> memref<1x!tpu.dma_semaphore, #tpu.memory_space<semaphore_mem>>
        %dma_wait3A_310 = tpu.memref_squeeze %dma_wait3A_309 : memref<1x!tpu.dma_semaphore, #tpu.memory_space<semaphore_mem>> -> memref<!tpu.dma_semaphore, #tpu.memory_space<semaphore_mem>>
        %dma_wait3A_311 = arith.constant 0 : i32
        %dma_wait3A_312 = arith.constant 0 : i32
        %dma_wait3A_313 = tpu.memref_slice %arg8[%rem3A_278, %dma_wait3A_311, %dma_wait3A_312] : memref<2x25x80xi32, #tpu.memory_space<vmem>> -> memref<1x25x80xi32, #tpu.memory_space<vmem>>
        %dma_wait3A_314 = tpu.memref_squeeze %dma_wait3A_313 : memref<1x25x80xi32, #tpu.memory_space<vmem>> -> memref<25x80xi32, #tpu.memory_space<vmem>>
        %dma_wait3A_315 = arith.constant 0 : i32
        %dma_wait3A_316 = arith.constant 0 : i32
        %dma_wait3A_317 = tpu.memref_slice %arg4[%dma_wait3A_299, %dma_wait3A_300, %dma_wait3A_315, %dma_wait3A_316] : memref<32x5x25x80xi32, #tpu.memory_space<hbm>> -> memref<1x1x25x80xi32, #tpu.memory_space<hbm>>
        %dma_wait3A_318 = tpu.memref_squeeze %dma_wait3A_317 : memref<1x1x25x80xi32, #tpu.memory_space<hbm>> -> memref<25x80xi32, #tpu.memory_space<hbm>>
        tpu.wait_dma2 semaphore(%dma_wait3A_310 : memref<!tpu.dma_semaphore, #tpu.memory_space<semaphore_mem>>) src(%dma_wait3A_318 : memref<25x80xi32, #tpu.memory_space<hbm>>) dst(%dma_wait3A_314 : memref<25x80xi32, #tpu.memory_space<vmem>>)
      } else {
      }
      %add3A_250 = arith.constant 2 : i32
      %add3A_251 = arith.addi %scan3A_198, %add3A_250 : i32
      %lt3A_252 = arith.constant 125 : i32
      %lt3A_253 = arith.cmpi slt, %add3A_251, %lt3A_252 : i32
      %convert_element_type3A_254 = arith.extui %lt3A_253 : i1 to i32
      %cond3A_255 = arith.constant 0 : i32
      %cond3A_256 = arith.cmpi ne, %convert_element_type3A_254, %cond3A_255 : i32
      scf.if %cond3A_256 {
        %add3A_273 = arith.constant 2 : i32
        %add3A_274 = arith.addi %scan3A_198, %add3A_273 : i32
        %div3A_275 = arith.constant 25 : i32
        %div3A_276 = arith.divsi %add3A_274, %div3A_275 : i32
        %rem3A_277 = arith.constant 2 : i32
        %rem3A_278 = arith.remsi %div3A_276, %rem3A_277 : i32
        %rem3A_279 = arith.constant 25 : i32
        %rem3A_280 = arith.remsi %add3A_274, %rem3A_279 : i32
        %rem3A_281 = arith.constant 3 : i32
        %rem3A_282 = arith.remsi %add3A_274, %rem3A_281 : i32
        %dma_start3A_283 = arith.constant 0 : i32
        %dma_start3A_284 = arith.constant 0 : i32
        %dma_start3A_285 = tpu.memref_slice %arg9[%rem3A_282, %dma_start3A_283, %dma_start3A_284] : memref<3x80x128xf32, #tpu.memory_space<vmem>> -> memref<1x80x128xf32, #tpu.memory_space<vmem>>
        %dma_start3A_286 = tpu.memref_squeeze %dma_start3A_285 : memref<1x80x128xf32, #tpu.memory_space<vmem>> -> memref<80x128xf32, #tpu.memory_space<vmem>>
        %dma_start3A_287 = arith.constant 0 : i32
        %dma_start3A_288 = tpu.memref_slice %arg7[%rem3A_278, %rem3A_280, %dma_start3A_287] : memref<2x25x80xi32, #tpu.memory_space<vmem>> -> memref<1x1x80xi32, #tpu.memory_space<vmem>>
        %dma_start3A_289 = tpu.memref_squeeze %dma_start3A_288 : memref<1x1x80xi32, #tpu.memory_space<vmem>> -> memref<80xi32, #tpu.memory_space<vmem>>
        %dma_start3A_290 = arith.constant 0 : i32
        %dma_start3A_291 = arith.constant 0 : i32
        %dma_start3A_292 = tpu.memref_slice %arg2[%dma_start3A_290, %dma_start3A_291] : memref<10000x128xf32, #tpu.memory_space<hbm>> -> memref<10000x128xf32, #tpu.memory_space<hbm>>
        %dma_start3A_293 = tpu.memref_slice %arg12[%rem3A_282] : memref<3x!tpu.dma_semaphore, #tpu.memory_space<semaphore_mem>> -> memref<1x!tpu.dma_semaphore, #tpu.memory_space<semaphore_mem>>
        %dma_start3A_294 = tpu.memref_squeeze %dma_start3A_293 : memref<1x!tpu.dma_semaphore, #tpu.memory_space<semaphore_mem>> -> memref<!tpu.dma_semaphore, #tpu.memory_space<semaphore_mem>>
        tpu.enqueue_indirect_dma source(%dma_start3A_292 : memref<10000x128xf32, #tpu.memory_space<hbm>>) target(%dma_start3A_286 : memref<80x128xf32, #tpu.memory_space<vmem>>) offsets(%dma_start3A_289 : memref<80xi32, #tpu.memory_space<vmem>>) semaphore(%dma_start3A_294 : memref<!tpu.dma_semaphore, #tpu.memory_space<semaphore_mem>>)
      } else {
      }
      %div3A_257 = arith.constant 25 : i32
      %div3A_258 = arith.divsi %scan3A_198, %div3A_257 : i32
      %add3A_259 = arith.constant 1 : i32
      %add3A_260 = arith.addi %div3A_258, %add3A_259 : i32
      %rem3A_261 = arith.constant 25 : i32
      %rem3A_262 = arith.remsi %scan3A_198, %rem3A_261 : i32
      %eq3A_263 = arith.constant 1 : i32
      %eq3A_264 = arith.cmpi eq, %rem3A_262, %eq3A_263 : i32
      %gt3A = arith.constant 25 : i32
      %gt3A_265 = arith.cmpi sgt, %scan3A_198, %gt3A : i32
      %lt3A_266 = arith.constant 5 : i32
      %lt3A_267 = arith.cmpi slt, %add3A_260, %lt3A_266 : i32
      %and3A_268 = arith.andi %gt3A_265, %lt3A_267 : i1
      %and3A_269 = arith.andi %eq3A_264, %and3A_268 : i1
      %convert_element_type3A_270 = arith.extui %and3A_269 : i1 to i32
      %cond3A_271 = arith.constant 0 : i32
      %cond3A_272 = arith.cmpi ne, %convert_element_type3A_270, %cond3A_271 : i32
      scf.if %cond3A_272 {
        %rem3A_273 = arith.constant 2 : i32
        %rem3A_274 = arith.remsi %add3A_260, %rem3A_273 : i32
        %dma_start3A_275 = arith.constant 0 : i32
        %dma_start3A_276 = arith.constant 0 : i32
        %dma_start3A_277 = tpu.memref_slice %arg7[%rem3A_274, %dma_start3A_275, %dma_start3A_276] : memref<2x25x80xi32, #tpu.memory_space<vmem>> -> memref<1x25x80xi32, #tpu.memory_space<vmem>>
        %dma_start3A_278 = tpu.memref_squeeze %dma_start3A_277 : memref<1x25x80xi32, #tpu.memory_space<vmem>> -> memref<25x80xi32, #tpu.memory_space<vmem>>
        %dma_start3A_279 = arith.constant 0 : i32
        %dma_start3A_280 = arith.constant 0 : i32
        %dma_start3A_281 = tpu.memref_slice %arg3[%add3A, %add3A_260, %dma_start3A_279, %dma_start3A_280] : memref<32x5x25x80xi32, #tpu.memory_space<hbm>> -> memref<1x1x25x80xi32, #tpu.memory_space<hbm>>
        %dma_start3A_282 = tpu.memref_squeeze %dma_start3A_281 : memref<1x1x25x80xi32, #tpu.memory_space<hbm>> -> memref<25x80xi32, #tpu.memory_space<hbm>>
        %dma_start3A_283 = tpu.memref_slice %arg11[%rem3A_274] : memref<2x!tpu.dma_semaphore, #tpu.memory_space<semaphore_mem>> -> memref<1x!tpu.dma_semaphore, #tpu.memory_space<semaphore_mem>>
        %dma_start3A_284 = tpu.memref_squeeze %dma_start3A_283 : memref<1x!tpu.dma_semaphore, #tpu.memory_space<semaphore_mem>> -> memref<!tpu.dma_semaphore, #tpu.memory_space<semaphore_mem>>
        %dma_start3A_285 = arith.constant 0 : i32
        %dma_start3A_286 = arith.constant 0 : i32
        %dma_start3A_287 = tpu.memref_slice %arg7[%rem3A_274, %dma_start3A_285, %dma_start3A_286] : memref<2x25x80xi32, #tpu.memory_space<vmem>> -> memref<1x25x80xi32, #tpu.memory_space<vmem>>
        %dma_start3A_288 = tpu.memref_squeeze %dma_start3A_287 : memref<1x25x80xi32, #tpu.memory_space<vmem>> -> memref<25x80xi32, #tpu.memory_space<vmem>>
        %dma_start3A_289 = arith.constant 0 : i32
        %dma_start3A_290 = arith.constant 0 : i32
        %dma_start3A_291 = tpu.memref_slice %arg3[%add3A, %add3A_260, %dma_start3A_289, %dma_start3A_290] : memref<32x5x25x80xi32, #tpu.memory_space<hbm>> -> memref<1x1x25x80xi32, #tpu.memory_space<hbm>>
        %dma_start3A_292 = tpu.memref_squeeze %dma_start3A_291 : memref<1x1x25x80xi32, #tpu.memory_space<hbm>> -> memref<25x80xi32, #tpu.memory_space<hbm>>
        tpu.enqueue_dma source(%dma_start3A_292 : memref<25x80xi32, #tpu.memory_space<hbm>>) target(%dma_start3A_288 : memref<25x80xi32, #tpu.memory_space<vmem>>) target_semaphore(%dma_start3A_284 : memref<!tpu.dma_semaphore, #tpu.memory_space<semaphore_mem>>)
        %dma_start3A_293 = arith.constant 0 : i32
        %dma_start3A_294 = arith.constant 0 : i32
        %dma_start3A_295 = tpu.memref_slice %arg8[%rem3A_274, %dma_start3A_293, %dma_start3A_294] : memref<2x25x80xi32, #tpu.memory_space<vmem>> -> memref<1x25x80xi32, #tpu.memory_space<vmem>>
        %dma_start3A_296 = tpu.memref_squeeze %dma_start3A_295 : memref<1x25x80xi32, #tpu.memory_space<vmem>> -> memref<25x80xi32, #tpu.memory_space<vmem>>
        %dma_start3A_297 = arith.constant 0 : i32
        %dma_start3A_298 = arith.constant 0 : i32
        %dma_start3A_299 = tpu.memref_slice %arg4[%add3A, %add3A_260, %dma_start3A_297, %dma_start3A_298] : memref<32x5x25x80xi32, #tpu.memory_space<hbm>> -> memref<1x1x25x80xi32, #tpu.memory_space<hbm>>
        %dma_start3A_300 = tpu.memref_squeeze %dma_start3A_299 : memref<1x1x25x80xi32, #tpu.memory_space<hbm>> -> memref<25x80xi32, #tpu.memory_space<hbm>>
        %dma_start3A_301 = tpu.memref_slice %arg11[%rem3A_274] : memref<2x!tpu.dma_semaphore, #tpu.memory_space<semaphore_mem>> -> memref<1x!tpu.dma_semaphore, #tpu.memory_space<semaphore_mem>>
        %dma_start3A_302 = tpu.memref_squeeze %dma_start3A_301 : memref<1x!tpu.dma_semaphore, #tpu.memory_space<semaphore_mem>> -> memref<!tpu.dma_semaphore, #tpu.memory_space<semaphore_mem>>
        %dma_start3A_303 = arith.constant 0 : i32
        %dma_start3A_304 = arith.constant 0 : i32
        %dma_start3A_305 = tpu.memref_slice %arg8[%rem3A_274, %dma_start3A_303, %dma_start3A_304] : memref<2x25x80xi32, #tpu.memory_space<vmem>> -> memref<1x25x80xi32, #tpu.memory_space<vmem>>
        %dma_start3A_306 = tpu.memref_squeeze %dma_start3A_305 : memref<1x25x80xi32, #tpu.memory_space<vmem>> -> memref<25x80xi32, #tpu.memory_space<vmem>>
        %dma_start3A_307 = arith.constant 0 : i32
        %dma_start3A_308 = arith.constant 0 : i32
        %dma_start3A_309 = tpu.memref_slice %arg4[%add3A, %add3A_260, %dma_start3A_307, %dma_start3A_308] : memref<32x5x25x80xi32, #tpu.memory_space<hbm>> -> memref<1x1x25x80xi32, #tpu.memory_space<hbm>>
        %dma_start3A_310 = tpu.memref_squeeze %dma_start3A_309 : memref<1x1x25x80xi32, #tpu.memory_space<hbm>> -> memref<25x80xi32, #tpu.memory_space<hbm>>
        tpu.enqueue_dma source(%dma_start3A_310 : memref<25x80xi32, #tpu.memory_space<hbm>>) target(%dma_start3A_306 : memref<25x80xi32, #tpu.memory_space<vmem>>) target_semaphore(%dma_start3A_302 : memref<!tpu.dma_semaphore, #tpu.memory_space<semaphore_mem>>)
      } else {
      }
    }
    %scan3A_177 = arith.constant 125 : i32
    %rem3A_178 = arith.constant 124 : i32
    %rem3A_179 = arith.constant 3 : i32
    %rem3A_180 = arith.remsi %rem3A_178, %rem3A_179 : i32
    %dma_wait3A_181 = arith.constant 0 : i32
    %dma_wait3A_182 = arith.constant 0 : i32
    %dma_wait3A_183 = tpu.memref_slice %arg9[%rem3A_180, %dma_wait3A_181, %dma_wait3A_182] : memref<3x80x128xf32, #tpu.memory_space<vmem>> -> memref<1x80x128xf32, #tpu.memory_space<vmem>>
    %dma_wait3A_184 = tpu.memref_squeeze %dma_wait3A_183 : memref<1x80x128xf32, #tpu.memory_space<vmem>> -> memref<80x128xf32, #tpu.memory_space<vmem>>
    %dma_wait3A_185 = arith.constant 0 : i32
    %dma_wait3A_186 = arith.constant 0 : i32
    %dma_wait3A_187 = tpu.memref_slice %arg10[%dma_wait3A_185, %dma_wait3A_186] : memref<10000x128xf32, #tpu.memory_space<vmem_shared>> -> memref<80x128xf32, #tpu.memory_space<vmem_shared>>
    %dma_wait3A_188 = tpu.memref_slice %arg13[%rem3A_180] : memref<3x!tpu.dma_semaphore, #tpu.memory_space<semaphore_mem>> -> memref<1x!tpu.dma_semaphore, #tpu.memory_space<semaphore_mem>>
    %dma_wait3A_189 = tpu.memref_squeeze %dma_wait3A_188 : memref<1x!tpu.dma_semaphore, #tpu.memory_space<semaphore_mem>> -> memref<!tpu.dma_semaphore, #tpu.memory_space<semaphore_mem>>
    %dma_wait3A_190 = arith.constant 0 : i32
    %dma_wait3A_191 = arith.constant 0 : i32
    %dma_wait3A_192 = tpu.memref_slice %arg10[%dma_wait3A_190, %dma_wait3A_191] : memref<10000x128xf32, #tpu.memory_space<vmem_shared>> -> memref<80x128xf32, #tpu.memory_space<vmem_shared>>
    %dma_wait3A_193 = arith.constant 0 : i32
    %dma_wait3A_194 = arith.constant 0 : i32
    %dma_wait3A_195 = tpu.memref_slice %arg9[%rem3A_180, %dma_wait3A_193, %dma_wait3A_194] : memref<3x80x128xf32, #tpu.memory_space<vmem>> -> memref<1x80x128xf32, #tpu.memory_space<vmem>>
    %dma_wait3A_196 = tpu.memref_squeeze %dma_wait3A_195 : memref<1x80x128xf32, #tpu.memory_space<vmem>> -> memref<80x128xf32, #tpu.memory_space<vmem>>
    tpu.wait_dma2 semaphore(%dma_wait3A_189 : memref<!tpu.dma_semaphore, #tpu.memory_space<semaphore_mem>>) src(%dma_wait3A_196 : memref<80x128xf32, #tpu.memory_space<vmem>>) dst(%dma_wait3A_192 : memref<80x128xf32, #tpu.memory_space<vmem_shared>>)
    %barrier3A_197 = arith.constant 0 : index
    tpu.barrier barrier_id(%barrier3A_197)
    "tpu.region"() ({
      %run_scoped3A = tpu.sem_alloc : memref<!tpu.dma_semaphore, #tpu.memory_space<semaphore_mem>>
      %dma_start3A_198 = arith.constant 0 : i32
      %dma_start3A_199 = tpu.memref_slice %arg6[%arg0, %mul3A_2, %dma_start3A_198] : memref<2x10000x128xf32, #tpu.memory_space<hbm>> -> memref<1x625x128xf32, #tpu.memory_space<hbm>>
      %dma_start3A_200 = tpu.memref_squeeze %dma_start3A_199 : memref<1x625x128xf32, #tpu.memory_space<hbm>> -> memref<625x128xf32, #tpu.memory_space<hbm>>
      %dma_start3A_201 = arith.constant 0 : i32
      %dma_start3A_202 = tpu.memref_slice %arg10[%mul3A_2, %dma_start3A_201] : memref<10000x128xf32, #tpu.memory_space<vmem_shared>> -> memref<625x128xf32, #tpu.memory_space<vmem_shared>>
      tpu.enqueue_dma source(%dma_start3A_202 : memref<625x128xf32, #tpu.memory_space<vmem_shared>>) target(%dma_start3A_200 : memref<625x128xf32, #tpu.memory_space<hbm>>) target_semaphore(%run_scoped3A : memref<!tpu.dma_semaphore, #tpu.memory_space<semaphore_mem>>)
      %dma_wait3A_203 = arith.constant 0 : i32
      %dma_wait3A_204 = tpu.memref_slice %arg6[%arg0, %mul3A_2, %dma_wait3A_203] : memref<2x10000x128xf32, #tpu.memory_space<hbm>> -> memref<1x625x128xf32, #tpu.memory_space<hbm>>
      %dma_wait3A_205 = tpu.memref_squeeze %dma_wait3A_204 : memref<1x625x128xf32, #tpu.memory_space<hbm>> -> memref<625x128xf32, #tpu.memory_space<hbm>>
      %dma_wait3A_206 = arith.constant 0 : i32
      %dma_wait3A_207 = tpu.memref_slice %arg10[%mul3A_2, %dma_wait3A_206] : memref<10000x128xf32, #tpu.memory_space<vmem_shared>> -> memref<625x128xf32, #tpu.memory_space<vmem_shared>>
      tpu.wait_dma2 semaphore(%run_scoped3A : memref<!tpu.dma_semaphore, #tpu.memory_space<semaphore_mem>>) src(%dma_wait3A_207 : memref<625x128xf32, #tpu.memory_space<vmem_shared>>) dst(%dma_wait3A_205 : memref<625x128xf32, #tpu.memory_space<hbm>>)
      tpu.yield
    }) : () -> ()
    return
  }
}

#map = affine_map<(d0, d1) -> (0, 0)>
#map1 = affine_map<(d0, d1) -> (0, 0, 0, 0)>
#map2 = affine_map<(d0, d1) -> (0, 0, 0)>
module attributes {stable_mosaic.version = 14 : i64} {
  func.func @_sc_agg_body(%arg0: i32, %arg1: i32, %arg2: memref<10000x128xf32, #tpu.memory_space<hbm>>, %arg3: memref<32x5x25x80xi32, #tpu.memory_space<hbm>>, %arg4: memref<32x5x25x80xi32, #tpu.memory_space<hbm>>, %arg5: memref<625x128xf32, #tpu.memory_space<hbm>>, %arg6: memref<625x16xf32, #tpu.memory_space<hbm>>, %arg7: memref<80x16xf32, #tpu.memory_space<hbm>>, %arg8: memref<2x10000x128xf32, #tpu.memory_space<hbm>>, %arg9: memref<2x10000x16xf32, #tpu.memory_space<hbm>>, %arg10: memref<2x25x80xi32, #tpu.memory_space<vmem>>, %arg11: memref<2x25x80xi32, #tpu.memory_space<vmem>>, %arg12: memref<3x80x128xf32, #tpu.memory_space<vmem>>, %arg13: memref<80x16xf32, #tpu.memory_space<vmem>>, %arg14: memref<10000x128xf32, #tpu.memory_space<vmem_shared>>, %arg15: memref<10000x16xf32, #tpu.memory_space<vmem_shared>>, %arg16: memref<2x!tpu.dma_semaphore, #tpu.memory_space<semaphore_mem>>, %arg17: memref<3x!tpu.dma_semaphore, #tpu.memory_space<semaphore_mem>>, %arg18: memref<3x!tpu.dma_semaphore, #tpu.memory_space<semaphore_mem>>, %arg19: memref<3x!tpu.dma_semaphore, #tpu.memory_space<semaphore_mem>>) attributes {dimension_semantics = [#tpu.dimension_semantics<core_parallel>, #tpu.dimension_semantics<subcore_parallel>], iteration_bounds = array<i64: 2, 16>, scalar_prefetch = 0 : i64, scratch_operands = 10 : i64, tpu.core_type = #tpu.core_type<sc_vector_subcore>, window_params = [{transform_indices = #map}, {transform_indices = #map1}, {transform_indices = #map1}, {transform_indices = #map}, {transform_indices = #map}, {transform_indices = #map}, {transform_indices = #map2}, {transform_indices = #map2}]} {
    %mul3A = arith.constant 2 : i32
    %mul3A_0 = arith.muli %arg1, %mul3A : i32
    %add3A = arith.addi %mul3A_0, %arg0 : i32
    %mul3A_1 = arith.constant 625 : i32
    %mul3A_2 = arith.muli %arg1, %mul3A_1 : i32
    %dma_start3A = arith.constant 0 : i32
    %dma_start3A_3 = arith.constant 0 : i32
    %dma_start3A_4 = arith.constant 0 : i32
    %dma_start3A_5 = arith.constant 0 : i32
    %dma_start3A_6 = arith.constant 0 : i32
    %dma_start3A_7 = tpu.memref_slice %arg10[%dma_start3A_3, %dma_start3A_5, %dma_start3A_6] : memref<2x25x80xi32, #tpu.memory_space<vmem>> -> memref<1x25x80xi32, #tpu.memory_space<vmem>>
    %dma_start3A_8 = tpu.memref_squeeze %dma_start3A_7 : memref<1x25x80xi32, #tpu.memory_space<vmem>> -> memref<25x80xi32, #tpu.memory_space<vmem>>
    %dma_start3A_9 = arith.constant 0 : i32
    %dma_start3A_10 = arith.constant 0 : i32
    %dma_start3A_11 = tpu.memref_slice %arg3[%add3A, %dma_start3A, %dma_start3A_9, %dma_start3A_10] : memref<32x5x25x80xi32, #tpu.memory_space<hbm>> -> memref<1x1x25x80xi32, #tpu.memory_space<hbm>>
    %dma_start3A_12 = tpu.memref_squeeze %dma_start3A_11 : memref<1x1x25x80xi32, #tpu.memory_space<hbm>> -> memref<25x80xi32, #tpu.memory_space<hbm>>
    %dma_start3A_13 = tpu.memref_slice %arg16[%dma_start3A_4] : memref<2x!tpu.dma_semaphore, #tpu.memory_space<semaphore_mem>> -> memref<1x!tpu.dma_semaphore, #tpu.memory_space<semaphore_mem>>
    %dma_start3A_14 = tpu.memref_squeeze %dma_start3A_13 : memref<1x!tpu.dma_semaphore, #tpu.memory_space<semaphore_mem>> -> memref<!tpu.dma_semaphore, #tpu.memory_space<semaphore_mem>>
    %dma_start3A_15 = arith.constant 0 : i32
    %dma_start3A_16 = arith.constant 0 : i32
    %dma_start3A_17 = tpu.memref_slice %arg10[%dma_start3A_3, %dma_start3A_15, %dma_start3A_16] : memref<2x25x80xi32, #tpu.memory_space<vmem>> -> memref<1x25x80xi32, #tpu.memory_space<vmem>>
    %dma_start3A_18 = tpu.memref_squeeze %dma_start3A_17 : memref<1x25x80xi32, #tpu.memory_space<vmem>> -> memref<25x80xi32, #tpu.memory_space<vmem>>
    %dma_start3A_19 = arith.constant 0 : i32
    %dma_start3A_20 = arith.constant 0 : i32
    %dma_start3A_21 = tpu.memref_slice %arg3[%add3A, %dma_start3A, %dma_start3A_19, %dma_start3A_20] : memref<32x5x25x80xi32, #tpu.memory_space<hbm>> -> memref<1x1x25x80xi32, #tpu.memory_space<hbm>>
    %dma_start3A_22 = tpu.memref_squeeze %dma_start3A_21 : memref<1x1x25x80xi32, #tpu.memory_space<hbm>> -> memref<25x80xi32, #tpu.memory_space<hbm>>
    tpu.enqueue_dma source(%dma_start3A_22 : memref<25x80xi32, #tpu.memory_space<hbm>>) target(%dma_start3A_18 : memref<25x80xi32, #tpu.memory_space<vmem>>) target_semaphore(%dma_start3A_14 : memref<!tpu.dma_semaphore, #tpu.memory_space<semaphore_mem>>)
    %dma_start3A_23 = arith.constant 0 : i32
    %dma_start3A_24 = arith.constant 0 : i32
    %dma_start3A_25 = arith.constant 0 : i32
    %dma_start3A_26 = arith.constant 0 : i32
    %dma_start3A_27 = arith.constant 0 : i32
    %dma_start3A_28 = tpu.memref_slice %arg11[%dma_start3A_24, %dma_start3A_26, %dma_start3A_27] : memref<2x25x80xi32, #tpu.memory_space<vmem>> -> memref<1x25x80xi32, #tpu.memory_space<vmem>>
    %dma_start3A_29 = tpu.memref_squeeze %dma_start3A_28 : memref<1x25x80xi32, #tpu.memory_space<vmem>> -> memref<25x80xi32, #tpu.memory_space<vmem>>
    %dma_start3A_30 = arith.constant 0 : i32
    %dma_start3A_31 = arith.constant 0 : i32
    %dma_start3A_32 = tpu.memref_slice %arg4[%add3A, %dma_start3A_23, %dma_start3A_30, %dma_start3A_31] : memref<32x5x25x80xi32, #tpu.memory_space<hbm>> -> memref<1x1x25x80xi32, #tpu.memory_space<hbm>>
    %dma_start3A_33 = tpu.memref_squeeze %dma_start3A_32 : memref<1x1x25x80xi32, #tpu.memory_space<hbm>> -> memref<25x80xi32, #tpu.memory_space<hbm>>
    %dma_start3A_34 = tpu.memref_slice %arg16[%dma_start3A_25] : memref<2x!tpu.dma_semaphore, #tpu.memory_space<semaphore_mem>> -> memref<1x!tpu.dma_semaphore, #tpu.memory_space<semaphore_mem>>
    %dma_start3A_35 = tpu.memref_squeeze %dma_start3A_34 : memref<1x!tpu.dma_semaphore, #tpu.memory_space<semaphore_mem>> -> memref<!tpu.dma_semaphore, #tpu.memory_space<semaphore_mem>>
    %dma_start3A_36 = arith.constant 0 : i32
    %dma_start3A_37 = arith.constant 0 : i32
    %dma_start3A_38 = tpu.memref_slice %arg11[%dma_start3A_24, %dma_start3A_36, %dma_start3A_37] : memref<2x25x80xi32, #tpu.memory_space<vmem>> -> memref<1x25x80xi32, #tpu.memory_space<vmem>>
    %dma_start3A_39 = tpu.memref_squeeze %dma_start3A_38 : memref<1x25x80xi32, #tpu.memory_space<vmem>> -> memref<25x80xi32, #tpu.memory_space<vmem>>
    %dma_start3A_40 = arith.constant 0 : i32
    %dma_start3A_41 = arith.constant 0 : i32
    %dma_start3A_42 = tpu.memref_slice %arg4[%add3A, %dma_start3A_23, %dma_start3A_40, %dma_start3A_41] : memref<32x5x25x80xi32, #tpu.memory_space<hbm>> -> memref<1x1x25x80xi32, #tpu.memory_space<hbm>>
    %dma_start3A_43 = tpu.memref_squeeze %dma_start3A_42 : memref<1x1x25x80xi32, #tpu.memory_space<hbm>> -> memref<25x80xi32, #tpu.memory_space<hbm>>
    tpu.enqueue_dma source(%dma_start3A_43 : memref<25x80xi32, #tpu.memory_space<hbm>>) target(%dma_start3A_39 : memref<25x80xi32, #tpu.memory_space<vmem>>) target_semaphore(%dma_start3A_35 : memref<!tpu.dma_semaphore, #tpu.memory_space<semaphore_mem>>)
    %dma_start3A_44 = arith.constant 1 : i32
    %dma_start3A_45 = arith.constant 1 : i32
    %dma_start3A_46 = arith.constant 1 : i32
    %dma_start3A_47 = arith.constant 0 : i32
    %dma_start3A_48 = arith.constant 0 : i32
    %dma_start3A_49 = tpu.memref_slice %arg10[%dma_start3A_45, %dma_start3A_47, %dma_start3A_48] : memref<2x25x80xi32, #tpu.memory_space<vmem>> -> memref<1x25x80xi32, #tpu.memory_space<vmem>>
    %dma_start3A_50 = tpu.memref_squeeze %dma_start3A_49 : memref<1x25x80xi32, #tpu.memory_space<vmem>> -> memref<25x80xi32, #tpu.memory_space<vmem>>
    %dma_start3A_51 = arith.constant 0 : i32
    %dma_start3A_52 = arith.constant 0 : i32
    %dma_start3A_53 = tpu.memref_slice %arg3[%add3A, %dma_start3A_44, %dma_start3A_51, %dma_start3A_52] : memref<32x5x25x80xi32, #tpu.memory_space<hbm>> -> memref<1x1x25x80xi32, #tpu.memory_space<hbm>>
    %dma_start3A_54 = tpu.memref_squeeze %dma_start3A_53 : memref<1x1x25x80xi32, #tpu.memory_space<hbm>> -> memref<25x80xi32, #tpu.memory_space<hbm>>
    %dma_start3A_55 = tpu.memref_slice %arg16[%dma_start3A_46] : memref<2x!tpu.dma_semaphore, #tpu.memory_space<semaphore_mem>> -> memref<1x!tpu.dma_semaphore, #tpu.memory_space<semaphore_mem>>
    %dma_start3A_56 = tpu.memref_squeeze %dma_start3A_55 : memref<1x!tpu.dma_semaphore, #tpu.memory_space<semaphore_mem>> -> memref<!tpu.dma_semaphore, #tpu.memory_space<semaphore_mem>>
    %dma_start3A_57 = arith.constant 0 : i32
    %dma_start3A_58 = arith.constant 0 : i32
    %dma_start3A_59 = tpu.memref_slice %arg10[%dma_start3A_45, %dma_start3A_57, %dma_start3A_58] : memref<2x25x80xi32, #tpu.memory_space<vmem>> -> memref<1x25x80xi32, #tpu.memory_space<vmem>>
    %dma_start3A_60 = tpu.memref_squeeze %dma_start3A_59 : memref<1x25x80xi32, #tpu.memory_space<vmem>> -> memref<25x80xi32, #tpu.memory_space<vmem>>
    %dma_start3A_61 = arith.constant 0 : i32
    %dma_start3A_62 = arith.constant 0 : i32
    %dma_start3A_63 = tpu.memref_slice %arg3[%add3A, %dma_start3A_44, %dma_start3A_61, %dma_start3A_62] : memref<32x5x25x80xi32, #tpu.memory_space<hbm>> -> memref<1x1x25x80xi32, #tpu.memory_space<hbm>>
    %dma_start3A_64 = tpu.memref_squeeze %dma_start3A_63 : memref<1x1x25x80xi32, #tpu.memory_space<hbm>> -> memref<25x80xi32, #tpu.memory_space<hbm>>
    tpu.enqueue_dma source(%dma_start3A_64 : memref<25x80xi32, #tpu.memory_space<hbm>>) target(%dma_start3A_60 : memref<25x80xi32, #tpu.memory_space<vmem>>) target_semaphore(%dma_start3A_56 : memref<!tpu.dma_semaphore, #tpu.memory_space<semaphore_mem>>)
    %dma_start3A_65 = arith.constant 1 : i32
    %dma_start3A_66 = arith.constant 1 : i32
    %dma_start3A_67 = arith.constant 1 : i32
    %dma_start3A_68 = arith.constant 0 : i32
    %dma_start3A_69 = arith.constant 0 : i32
    %dma_start3A_70 = tpu.memref_slice %arg11[%dma_start3A_66, %dma_start3A_68, %dma_start3A_69] : memref<2x25x80xi32, #tpu.memory_space<vmem>> -> memref<1x25x80xi32, #tpu.memory_space<vmem>>
    %dma_start3A_71 = tpu.memref_squeeze %dma_start3A_70 : memref<1x25x80xi32, #tpu.memory_space<vmem>> -> memref<25x80xi32, #tpu.memory_space<vmem>>
    %dma_start3A_72 = arith.constant 0 : i32
    %dma_start3A_73 = arith.constant 0 : i32
    %dma_start3A_74 = tpu.memref_slice %arg4[%add3A, %dma_start3A_65, %dma_start3A_72, %dma_start3A_73] : memref<32x5x25x80xi32, #tpu.memory_space<hbm>> -> memref<1x1x25x80xi32, #tpu.memory_space<hbm>>
    %dma_start3A_75 = tpu.memref_squeeze %dma_start3A_74 : memref<1x1x25x80xi32, #tpu.memory_space<hbm>> -> memref<25x80xi32, #tpu.memory_space<hbm>>
    %dma_start3A_76 = tpu.memref_slice %arg16[%dma_start3A_67] : memref<2x!tpu.dma_semaphore, #tpu.memory_space<semaphore_mem>> -> memref<1x!tpu.dma_semaphore, #tpu.memory_space<semaphore_mem>>
    %dma_start3A_77 = tpu.memref_squeeze %dma_start3A_76 : memref<1x!tpu.dma_semaphore, #tpu.memory_space<semaphore_mem>> -> memref<!tpu.dma_semaphore, #tpu.memory_space<semaphore_mem>>
    %dma_start3A_78 = arith.constant 0 : i32
    %dma_start3A_79 = arith.constant 0 : i32
    %dma_start3A_80 = tpu.memref_slice %arg11[%dma_start3A_66, %dma_start3A_78, %dma_start3A_79] : memref<2x25x80xi32, #tpu.memory_space<vmem>> -> memref<1x25x80xi32, #tpu.memory_space<vmem>>
    %dma_start3A_81 = tpu.memref_squeeze %dma_start3A_80 : memref<1x25x80xi32, #tpu.memory_space<vmem>> -> memref<25x80xi32, #tpu.memory_space<vmem>>
    %dma_start3A_82 = arith.constant 0 : i32
    %dma_start3A_83 = arith.constant 0 : i32
    %dma_start3A_84 = tpu.memref_slice %arg4[%add3A, %dma_start3A_65, %dma_start3A_82, %dma_start3A_83] : memref<32x5x25x80xi32, #tpu.memory_space<hbm>> -> memref<1x1x25x80xi32, #tpu.memory_space<hbm>>
    %dma_start3A_85 = tpu.memref_squeeze %dma_start3A_84 : memref<1x1x25x80xi32, #tpu.memory_space<hbm>> -> memref<25x80xi32, #tpu.memory_space<hbm>>
    tpu.enqueue_dma source(%dma_start3A_85 : memref<25x80xi32, #tpu.memory_space<hbm>>) target(%dma_start3A_81 : memref<25x80xi32, #tpu.memory_space<vmem>>) target_semaphore(%dma_start3A_77 : memref<!tpu.dma_semaphore, #tpu.memory_space<semaphore_mem>>)
    "tpu.region"() ({
      %run_scoped3A = tpu.sem_alloc : memref<!tpu.dma_semaphore, #tpu.memory_space<semaphore_mem>>
      %dma_start3A_206 = arith.constant 0 : i32
      %dma_start3A_207 = tpu.memref_slice %arg14[%mul3A_2, %dma_start3A_206] : memref<10000x128xf32, #tpu.memory_space<vmem_shared>> -> memref<625x128xf32, #tpu.memory_space<vmem_shared>>
      tpu.enqueue_dma source(%arg5 : memref<625x128xf32, #tpu.memory_space<hbm>>) target(%dma_start3A_207 : memref<625x128xf32, #tpu.memory_space<vmem_shared>>) target_semaphore(%run_scoped3A : memref<!tpu.dma_semaphore, #tpu.memory_space<semaphore_mem>>)
      %dma_wait3A_208 = arith.constant 0 : i32
      %dma_wait3A_209 = tpu.memref_slice %arg14[%mul3A_2, %dma_wait3A_208] : memref<10000x128xf32, #tpu.memory_space<vmem_shared>> -> memref<625x128xf32, #tpu.memory_space<vmem_shared>>
      tpu.wait_dma2 semaphore(%run_scoped3A : memref<!tpu.dma_semaphore, #tpu.memory_space<semaphore_mem>>) src(%arg5 : memref<625x128xf32, #tpu.memory_space<hbm>>) dst(%dma_wait3A_209 : memref<625x128xf32, #tpu.memory_space<vmem_shared>>)
      tpu.yield
    }) : () -> ()
    "tpu.region"() ({
      %run_scoped3A = tpu.sem_alloc : memref<!tpu.dma_semaphore, #tpu.memory_space<semaphore_mem>>
      %dma_start3A_206 = arith.constant 0 : i32
      %dma_start3A_207 = tpu.memref_slice %arg15[%mul3A_2, %dma_start3A_206] : memref<10000x16xf32, #tpu.memory_space<vmem_shared>> -> memref<625x16xf32, #tpu.memory_space<vmem_shared>>
      tpu.enqueue_dma source(%arg6 : memref<625x16xf32, #tpu.memory_space<hbm>>) target(%dma_start3A_207 : memref<625x16xf32, #tpu.memory_space<vmem_shared>>) target_semaphore(%run_scoped3A : memref<!tpu.dma_semaphore, #tpu.memory_space<semaphore_mem>>)
      %dma_wait3A_208 = arith.constant 0 : i32
      %dma_wait3A_209 = tpu.memref_slice %arg15[%mul3A_2, %dma_wait3A_208] : memref<10000x16xf32, #tpu.memory_space<vmem_shared>> -> memref<625x16xf32, #tpu.memory_space<vmem_shared>>
      tpu.wait_dma2 semaphore(%run_scoped3A : memref<!tpu.dma_semaphore, #tpu.memory_space<semaphore_mem>>) src(%arg6 : memref<625x16xf32, #tpu.memory_space<hbm>>) dst(%dma_wait3A_209 : memref<625x16xf32, #tpu.memory_space<vmem_shared>>)
      tpu.yield
    }) : () -> ()
    "tpu.region"() ({
      %run_scoped3A = tpu.sem_alloc : memref<!tpu.dma_semaphore, #tpu.memory_space<semaphore_mem>>
      tpu.enqueue_dma source(%arg7 : memref<80x16xf32, #tpu.memory_space<hbm>>) target(%arg13 : memref<80x16xf32, #tpu.memory_space<vmem>>) target_semaphore(%run_scoped3A : memref<!tpu.dma_semaphore, #tpu.memory_space<semaphore_mem>>)
      tpu.wait_dma2 semaphore(%run_scoped3A : memref<!tpu.dma_semaphore, #tpu.memory_space<semaphore_mem>>) src(%arg7 : memref<80x16xf32, #tpu.memory_space<hbm>>) dst(%arg13 : memref<80x16xf32, #tpu.memory_space<vmem>>)
      tpu.yield
    }) : () -> ()
    %dma_wait3A = arith.constant 0 : i32
    %dma_wait3A_86 = arith.constant 0 : i32
    %dma_wait3A_87 = arith.constant 0 : i32
    %dma_wait3A_88 = arith.constant 0 : i32
    %dma_wait3A_89 = arith.constant 0 : i32
    %dma_wait3A_90 = arith.constant 0 : i32
    %dma_wait3A_91 = tpu.memref_slice %arg10[%dma_wait3A_87, %dma_wait3A_89, %dma_wait3A_90] : memref<2x25x80xi32, #tpu.memory_space<vmem>> -> memref<1x25x80xi32, #tpu.memory_space<vmem>>
    %dma_wait3A_92 = tpu.memref_squeeze %dma_wait3A_91 : memref<1x25x80xi32, #tpu.memory_space<vmem>> -> memref<25x80xi32, #tpu.memory_space<vmem>>
    %dma_wait3A_93 = arith.constant 0 : i32
    %dma_wait3A_94 = arith.constant 0 : i32
    %dma_wait3A_95 = tpu.memref_slice %arg3[%dma_wait3A, %dma_wait3A_86, %dma_wait3A_93, %dma_wait3A_94] : memref<32x5x25x80xi32, #tpu.memory_space<hbm>> -> memref<1x1x25x80xi32, #tpu.memory_space<hbm>>
    %dma_wait3A_96 = tpu.memref_squeeze %dma_wait3A_95 : memref<1x1x25x80xi32, #tpu.memory_space<hbm>> -> memref<25x80xi32, #tpu.memory_space<hbm>>
    %dma_wait3A_97 = tpu.memref_slice %arg16[%dma_wait3A_88] : memref<2x!tpu.dma_semaphore, #tpu.memory_space<semaphore_mem>> -> memref<1x!tpu.dma_semaphore, #tpu.memory_space<semaphore_mem>>
    %dma_wait3A_98 = tpu.memref_squeeze %dma_wait3A_97 : memref<1x!tpu.dma_semaphore, #tpu.memory_space<semaphore_mem>> -> memref<!tpu.dma_semaphore, #tpu.memory_space<semaphore_mem>>
    %dma_wait3A_99 = arith.constant 0 : i32
    %dma_wait3A_100 = arith.constant 0 : i32
    %dma_wait3A_101 = tpu.memref_slice %arg10[%dma_wait3A_87, %dma_wait3A_99, %dma_wait3A_100] : memref<2x25x80xi32, #tpu.memory_space<vmem>> -> memref<1x25x80xi32, #tpu.memory_space<vmem>>
    %dma_wait3A_102 = tpu.memref_squeeze %dma_wait3A_101 : memref<1x25x80xi32, #tpu.memory_space<vmem>> -> memref<25x80xi32, #tpu.memory_space<vmem>>
    %dma_wait3A_103 = arith.constant 0 : i32
    %dma_wait3A_104 = arith.constant 0 : i32
    %dma_wait3A_105 = tpu.memref_slice %arg3[%dma_wait3A, %dma_wait3A_86, %dma_wait3A_103, %dma_wait3A_104] : memref<32x5x25x80xi32, #tpu.memory_space<hbm>> -> memref<1x1x25x80xi32, #tpu.memory_space<hbm>>
    %dma_wait3A_106 = tpu.memref_squeeze %dma_wait3A_105 : memref<1x1x25x80xi32, #tpu.memory_space<hbm>> -> memref<25x80xi32, #tpu.memory_space<hbm>>
    tpu.wait_dma2 semaphore(%dma_wait3A_98 : memref<!tpu.dma_semaphore, #tpu.memory_space<semaphore_mem>>) src(%dma_wait3A_106 : memref<25x80xi32, #tpu.memory_space<hbm>>) dst(%dma_wait3A_102 : memref<25x80xi32, #tpu.memory_space<vmem>>)
    %dma_wait3A_107 = arith.constant 0 : i32
    %dma_wait3A_108 = arith.constant 0 : i32
    %dma_wait3A_109 = arith.constant 0 : i32
    %dma_wait3A_110 = arith.constant 0 : i32
    %dma_wait3A_111 = arith.constant 0 : i32
    %dma_wait3A_112 = arith.constant 0 : i32
    %dma_wait3A_113 = tpu.memref_slice %arg11[%dma_wait3A_109, %dma_wait3A_111, %dma_wait3A_112] : memref<2x25x80xi32, #tpu.memory_space<vmem>> -> memref<1x25x80xi32, #tpu.memory_space<vmem>>
    %dma_wait3A_114 = tpu.memref_squeeze %dma_wait3A_113 : memref<1x25x80xi32, #tpu.memory_space<vmem>> -> memref<25x80xi32, #tpu.memory_space<vmem>>
    %dma_wait3A_115 = arith.constant 0 : i32
    %dma_wait3A_116 = arith.constant 0 : i32
    %dma_wait3A_117 = tpu.memref_slice %arg4[%dma_wait3A_107, %dma_wait3A_108, %dma_wait3A_115, %dma_wait3A_116] : memref<32x5x25x80xi32, #tpu.memory_space<hbm>> -> memref<1x1x25x80xi32, #tpu.memory_space<hbm>>
    %dma_wait3A_118 = tpu.memref_squeeze %dma_wait3A_117 : memref<1x1x25x80xi32, #tpu.memory_space<hbm>> -> memref<25x80xi32, #tpu.memory_space<hbm>>
    %dma_wait3A_119 = tpu.memref_slice %arg16[%dma_wait3A_110] : memref<2x!tpu.dma_semaphore, #tpu.memory_space<semaphore_mem>> -> memref<1x!tpu.dma_semaphore, #tpu.memory_space<semaphore_mem>>
    %dma_wait3A_120 = tpu.memref_squeeze %dma_wait3A_119 : memref<1x!tpu.dma_semaphore, #tpu.memory_space<semaphore_mem>> -> memref<!tpu.dma_semaphore, #tpu.memory_space<semaphore_mem>>
    %dma_wait3A_121 = arith.constant 0 : i32
    %dma_wait3A_122 = arith.constant 0 : i32
    %dma_wait3A_123 = tpu.memref_slice %arg11[%dma_wait3A_109, %dma_wait3A_121, %dma_wait3A_122] : memref<2x25x80xi32, #tpu.memory_space<vmem>> -> memref<1x25x80xi32, #tpu.memory_space<vmem>>
    %dma_wait3A_124 = tpu.memref_squeeze %dma_wait3A_123 : memref<1x25x80xi32, #tpu.memory_space<vmem>> -> memref<25x80xi32, #tpu.memory_space<vmem>>
    %dma_wait3A_125 = arith.constant 0 : i32
    %dma_wait3A_126 = arith.constant 0 : i32
    %dma_wait3A_127 = tpu.memref_slice %arg4[%dma_wait3A_107, %dma_wait3A_108, %dma_wait3A_125, %dma_wait3A_126] : memref<32x5x25x80xi32, #tpu.memory_space<hbm>> -> memref<1x1x25x80xi32, #tpu.memory_space<hbm>>
    %dma_wait3A_128 = tpu.memref_squeeze %dma_wait3A_127 : memref<1x1x25x80xi32, #tpu.memory_space<hbm>> -> memref<25x80xi32, #tpu.memory_space<hbm>>
    tpu.wait_dma2 semaphore(%dma_wait3A_120 : memref<!tpu.dma_semaphore, #tpu.memory_space<semaphore_mem>>) src(%dma_wait3A_128 : memref<25x80xi32, #tpu.memory_space<hbm>>) dst(%dma_wait3A_124 : memref<25x80xi32, #tpu.memory_space<vmem>>)
    %div3A = arith.constant 0 : i32
    %div3A_129 = arith.constant 25 : i32
    %div3A_130 = arith.divsi %div3A, %div3A_129 : i32
    %rem3A = arith.constant 2 : i32
    %rem3A_131 = arith.remsi %div3A_130, %rem3A : i32
    %rem3A_132 = arith.constant 0 : i32
    %rem3A_133 = arith.constant 25 : i32
    %rem3A_134 = arith.remsi %rem3A_132, %rem3A_133 : i32
    %rem3A_135 = arith.constant 0 : i32
    %rem3A_136 = arith.constant 3 : i32
    %rem3A_137 = arith.remsi %rem3A_135, %rem3A_136 : i32
    %dma_start3A_138 = arith.constant 0 : i32
    %dma_start3A_139 = arith.constant 0 : i32
    %dma_start3A_140 = tpu.memref_slice %arg12[%rem3A_137, %dma_start3A_138, %dma_start3A_139] : memref<3x80x128xf32, #tpu.memory_space<vmem>> -> memref<1x80x128xf32, #tpu.memory_space<vmem>>
    %dma_start3A_141 = tpu.memref_squeeze %dma_start3A_140 : memref<1x80x128xf32, #tpu.memory_space<vmem>> -> memref<80x128xf32, #tpu.memory_space<vmem>>
    %dma_start3A_142 = arith.constant 0 : i32
    %dma_start3A_143 = tpu.memref_slice %arg10[%rem3A_131, %rem3A_134, %dma_start3A_142] : memref<2x25x80xi32, #tpu.memory_space<vmem>> -> memref<1x1x80xi32, #tpu.memory_space<vmem>>
    %dma_start3A_144 = tpu.memref_squeeze %dma_start3A_143 : memref<1x1x80xi32, #tpu.memory_space<vmem>> -> memref<80xi32, #tpu.memory_space<vmem>>
    %dma_start3A_145 = arith.constant 0 : i32
    %dma_start3A_146 = arith.constant 0 : i32
    %dma_start3A_147 = tpu.memref_slice %arg2[%dma_start3A_145, %dma_start3A_146] : memref<10000x128xf32, #tpu.memory_space<hbm>> -> memref<10000x128xf32, #tpu.memory_space<hbm>>
    %dma_start3A_148 = tpu.memref_slice %arg17[%rem3A_137] : memref<3x!tpu.dma_semaphore, #tpu.memory_space<semaphore_mem>> -> memref<1x!tpu.dma_semaphore, #tpu.memory_space<semaphore_mem>>
    %dma_start3A_149 = tpu.memref_squeeze %dma_start3A_148 : memref<1x!tpu.dma_semaphore, #tpu.memory_space<semaphore_mem>> -> memref<!tpu.dma_semaphore, #tpu.memory_space<semaphore_mem>>
    tpu.enqueue_indirect_dma source(%dma_start3A_147 : memref<10000x128xf32, #tpu.memory_space<hbm>>) target(%dma_start3A_141 : memref<80x128xf32, #tpu.memory_space<vmem>>) offsets(%dma_start3A_144 : memref<80xi32, #tpu.memory_space<vmem>>) semaphore(%dma_start3A_149 : memref<!tpu.dma_semaphore, #tpu.memory_space<semaphore_mem>>)
    %div3A_150 = arith.constant 1 : i32
    %div3A_151 = arith.constant 25 : i32
    %div3A_152 = arith.divsi %div3A_150, %div3A_151 : i32
    %rem3A_153 = arith.constant 2 : i32
    %rem3A_154 = arith.remsi %div3A_152, %rem3A_153 : i32
    %rem3A_155 = arith.constant 1 : i32
    %rem3A_156 = arith.constant 25 : i32
    %rem3A_157 = arith.remsi %rem3A_155, %rem3A_156 : i32
    %rem3A_158 = arith.constant 1 : i32
    %rem3A_159 = arith.constant 3 : i32
    %rem3A_160 = arith.remsi %rem3A_158, %rem3A_159 : i32
    %dma_start3A_161 = arith.constant 0 : i32
    %dma_start3A_162 = arith.constant 0 : i32
    %dma_start3A_163 = tpu.memref_slice %arg12[%rem3A_160, %dma_start3A_161, %dma_start3A_162] : memref<3x80x128xf32, #tpu.memory_space<vmem>> -> memref<1x80x128xf32, #tpu.memory_space<vmem>>
    %dma_start3A_164 = tpu.memref_squeeze %dma_start3A_163 : memref<1x80x128xf32, #tpu.memory_space<vmem>> -> memref<80x128xf32, #tpu.memory_space<vmem>>
    %dma_start3A_165 = arith.constant 0 : i32
    %dma_start3A_166 = tpu.memref_slice %arg10[%rem3A_154, %rem3A_157, %dma_start3A_165] : memref<2x25x80xi32, #tpu.memory_space<vmem>> -> memref<1x1x80xi32, #tpu.memory_space<vmem>>
    %dma_start3A_167 = tpu.memref_squeeze %dma_start3A_166 : memref<1x1x80xi32, #tpu.memory_space<vmem>> -> memref<80xi32, #tpu.memory_space<vmem>>
    %dma_start3A_168 = arith.constant 0 : i32
    %dma_start3A_169 = arith.constant 0 : i32
    %dma_start3A_170 = tpu.memref_slice %arg2[%dma_start3A_168, %dma_start3A_169] : memref<10000x128xf32, #tpu.memory_space<hbm>> -> memref<10000x128xf32, #tpu.memory_space<hbm>>
    %dma_start3A_171 = tpu.memref_slice %arg17[%rem3A_160] : memref<3x!tpu.dma_semaphore, #tpu.memory_space<semaphore_mem>> -> memref<1x!tpu.dma_semaphore, #tpu.memory_space<semaphore_mem>>
    %dma_start3A_172 = tpu.memref_squeeze %dma_start3A_171 : memref<1x!tpu.dma_semaphore, #tpu.memory_space<semaphore_mem>> -> memref<!tpu.dma_semaphore, #tpu.memory_space<semaphore_mem>>
    tpu.enqueue_indirect_dma source(%dma_start3A_170 : memref<10000x128xf32, #tpu.memory_space<hbm>>) target(%dma_start3A_164 : memref<80x128xf32, #tpu.memory_space<vmem>>) offsets(%dma_start3A_167 : memref<80xi32, #tpu.memory_space<vmem>>) semaphore(%dma_start3A_172 : memref<!tpu.dma_semaphore, #tpu.memory_space<semaphore_mem>>)
    %barrier3A = arith.constant 0 : index
    tpu.barrier barrier_id(%barrier3A)
    %scan3A = arith.constant 0 : i32
    %scan3A_173 = arith.constant 0 : i32
    %scan3A_174 = arith.constant 125 : i32
    %scan3A_175 = arith.addi %scan3A_173, %scan3A_174 : i32
    %scan3A_176 = arith.constant 1 : i32
    scf.for %scan3A_206 = %scan3A_173 to %scan3A_175 step %scan3A_176  : i32 {
      %rem3A_207 = arith.constant 3 : i32
      %rem3A_208 = arith.remsi %scan3A_206, %rem3A_207 : i32
      %dma_wait3A_209 = arith.constant 0 : i32
      %dma_wait3A_210 = arith.constant 0 : i32
      %dma_wait3A_211 = tpu.memref_slice %arg12[%rem3A_208, %dma_wait3A_209, %dma_wait3A_210] : memref<3x80x128xf32, #tpu.memory_space<vmem>> -> memref<1x80x128xf32, #tpu.memory_space<vmem>>
      %dma_wait3A_212 = tpu.memref_squeeze %dma_wait3A_211 : memref<1x80x128xf32, #tpu.memory_space<vmem>> -> memref<80x128xf32, #tpu.memory_space<vmem>>
      %dma_wait3A_213 = arith.constant 0 : i32
      %dma_wait3A_214 = arith.constant 0 : i32
      %dma_wait3A_215 = tpu.memref_slice %arg2[%dma_wait3A_213, %dma_wait3A_214] : memref<10000x128xf32, #tpu.memory_space<hbm>> -> memref<80x128xf32, #tpu.memory_space<hbm>>
      %dma_wait3A_216 = tpu.memref_slice %arg17[%rem3A_208] : memref<3x!tpu.dma_semaphore, #tpu.memory_space<semaphore_mem>> -> memref<1x!tpu.dma_semaphore, #tpu.memory_space<semaphore_mem>>
      %dma_wait3A_217 = tpu.memref_squeeze %dma_wait3A_216 : memref<1x!tpu.dma_semaphore, #tpu.memory_space<semaphore_mem>> -> memref<!tpu.dma_semaphore, #tpu.memory_space<semaphore_mem>>
      %dma_wait3A_218 = arith.constant 0 : i32
      %dma_wait3A_219 = arith.constant 0 : i32
      %dma_wait3A_220 = tpu.memref_slice %arg12[%rem3A_208, %dma_wait3A_218, %dma_wait3A_219] : memref<3x80x128xf32, #tpu.memory_space<vmem>> -> memref<1x80x128xf32, #tpu.memory_space<vmem>>
      %dma_wait3A_221 = tpu.memref_squeeze %dma_wait3A_220 : memref<1x80x128xf32, #tpu.memory_space<vmem>> -> memref<80x128xf32, #tpu.memory_space<vmem>>
      %dma_wait3A_222 = arith.constant 0 : i32
      %dma_wait3A_223 = arith.constant 0 : i32
      %dma_wait3A_224 = tpu.memref_slice %arg2[%dma_wait3A_222, %dma_wait3A_223] : memref<10000x128xf32, #tpu.memory_space<hbm>> -> memref<80x128xf32, #tpu.memory_space<hbm>>
      tpu.wait_dma2 semaphore(%dma_wait3A_217 : memref<!tpu.dma_semaphore, #tpu.memory_space<semaphore_mem>>) src(%dma_wait3A_224 : memref<80x128xf32, #tpu.memory_space<hbm>>) dst(%dma_wait3A_221 : memref<80x128xf32, #tpu.memory_space<vmem>>)
      %div3A_225 = arith.constant 25 : i32
      %div3A_226 = arith.divsi %scan3A_206, %div3A_225 : i32
      %rem3A_227 = arith.constant 2 : i32
      %rem3A_228 = arith.remsi %div3A_226, %rem3A_227 : i32
      %rem3A_229 = arith.constant 25 : i32
      %rem3A_230 = arith.remsi %scan3A_206, %rem3A_229 : i32
      %rem3A_231 = arith.constant 3 : i32
      %rem3A_232 = arith.remsi %scan3A_206, %rem3A_231 : i32
      %dma_start3A_233 = arith.constant 0 : i32
      %dma_start3A_234 = arith.constant 0 : i32
      %dma_start3A_235 = tpu.memref_slice %arg12[%rem3A_232, %dma_start3A_233, %dma_start3A_234] : memref<3x80x128xf32, #tpu.memory_space<vmem>> -> memref<1x80x128xf32, #tpu.memory_space<vmem>>
      %dma_start3A_236 = tpu.memref_squeeze %dma_start3A_235 : memref<1x80x128xf32, #tpu.memory_space<vmem>> -> memref<80x128xf32, #tpu.memory_space<vmem>>
      %dma_start3A_237 = arith.constant 0 : i32
      %dma_start3A_238 = tpu.memref_slice %arg11[%rem3A_228, %rem3A_230, %dma_start3A_237] : memref<2x25x80xi32, #tpu.memory_space<vmem>> -> memref<1x1x80xi32, #tpu.memory_space<vmem>>
      %dma_start3A_239 = tpu.memref_squeeze %dma_start3A_238 : memref<1x1x80xi32, #tpu.memory_space<vmem>> -> memref<80xi32, #tpu.memory_space<vmem>>
      %dma_start3A_240 = arith.constant 0 : i32
      %dma_start3A_241 = arith.constant 0 : i32
      %dma_start3A_242 = tpu.memref_slice %arg14[%dma_start3A_240, %dma_start3A_241] : memref<10000x128xf32, #tpu.memory_space<vmem_shared>> -> memref<10000x128xf32, #tpu.memory_space<vmem_shared>>
      %dma_start3A_243 = tpu.memref_slice %arg18[%rem3A_232] : memref<3x!tpu.dma_semaphore, #tpu.memory_space<semaphore_mem>> -> memref<1x!tpu.dma_semaphore, #tpu.memory_space<semaphore_mem>>
      %dma_start3A_244 = tpu.memref_squeeze %dma_start3A_243 : memref<1x!tpu.dma_semaphore, #tpu.memory_space<semaphore_mem>> -> memref<!tpu.dma_semaphore, #tpu.memory_space<semaphore_mem>>
      tpu.enqueue_indirect_dma source(%dma_start3A_236 : memref<80x128xf32, #tpu.memory_space<vmem>>) target(%dma_start3A_242 : memref<10000x128xf32, #tpu.memory_space<vmem_shared>>) offsets(%dma_start3A_239 : memref<80xi32, #tpu.memory_space<vmem>>) semaphore(%dma_start3A_244 : memref<!tpu.dma_semaphore, #tpu.memory_space<semaphore_mem>>) {add = true}
      %dma_start3A_245 = arith.constant 0 : i32
      %dma_start3A_246 = tpu.memref_slice %arg11[%rem3A_228, %rem3A_230, %dma_start3A_245] : memref<2x25x80xi32, #tpu.memory_space<vmem>> -> memref<1x1x80xi32, #tpu.memory_space<vmem>>
      %dma_start3A_247 = tpu.memref_squeeze %dma_start3A_246 : memref<1x1x80xi32, #tpu.memory_space<vmem>> -> memref<80xi32, #tpu.memory_space<vmem>>
      %dma_start3A_248 = arith.constant 0 : i32
      %dma_start3A_249 = arith.constant 0 : i32
      %dma_start3A_250 = tpu.memref_slice %arg15[%dma_start3A_248, %dma_start3A_249] : memref<10000x16xf32, #tpu.memory_space<vmem_shared>> -> memref<10000x16xf32, #tpu.memory_space<vmem_shared>>
      %dma_start3A_251 = tpu.memref_slice %arg19[%rem3A_232] : memref<3x!tpu.dma_semaphore, #tpu.memory_space<semaphore_mem>> -> memref<1x!tpu.dma_semaphore, #tpu.memory_space<semaphore_mem>>
      %dma_start3A_252 = tpu.memref_squeeze %dma_start3A_251 : memref<1x!tpu.dma_semaphore, #tpu.memory_space<semaphore_mem>> -> memref<!tpu.dma_semaphore, #tpu.memory_space<semaphore_mem>>
      tpu.enqueue_indirect_dma source(%arg13 : memref<80x16xf32, #tpu.memory_space<vmem>>) target(%dma_start3A_250 : memref<10000x16xf32, #tpu.memory_space<vmem_shared>>) offsets(%dma_start3A_247 : memref<80xi32, #tpu.memory_space<vmem>>) semaphore(%dma_start3A_252 : memref<!tpu.dma_semaphore, #tpu.memory_space<semaphore_mem>>) {add = true}
      %ge3A = arith.constant 1 : i32
      %ge3A_253 = arith.cmpi sge, %scan3A_206, %ge3A : i32
      %convert_element_type3A = arith.extui %ge3A_253 : i1 to i32
      %cond3A = arith.constant 0 : i32
      %cond3A_254 = arith.cmpi ne, %convert_element_type3A, %cond3A : i32
      scf.if %cond3A_254 {
        %sub3A = arith.constant 1 : i32
        %sub3A_289 = arith.subi %scan3A_206, %sub3A : i32
        %rem3A_290 = arith.constant 3 : i32
        %rem3A_291 = arith.remsi %sub3A_289, %rem3A_290 : i32
        %dma_wait3A_292 = arith.constant 0 : i32
        %dma_wait3A_293 = arith.constant 0 : i32
        %dma_wait3A_294 = tpu.memref_slice %arg12[%rem3A_291, %dma_wait3A_292, %dma_wait3A_293] : memref<3x80x128xf32, #tpu.memory_space<vmem>> -> memref<1x80x128xf32, #tpu.memory_space<vmem>>
        %dma_wait3A_295 = tpu.memref_squeeze %dma_wait3A_294 : memref<1x80x128xf32, #tpu.memory_space<vmem>> -> memref<80x128xf32, #tpu.memory_space<vmem>>
        %dma_wait3A_296 = arith.constant 0 : i32
        %dma_wait3A_297 = arith.constant 0 : i32
        %dma_wait3A_298 = tpu.memref_slice %arg14[%dma_wait3A_296, %dma_wait3A_297] : memref<10000x128xf32, #tpu.memory_space<vmem_shared>> -> memref<80x128xf32, #tpu.memory_space<vmem_shared>>
        %dma_wait3A_299 = tpu.memref_slice %arg18[%rem3A_291] : memref<3x!tpu.dma_semaphore, #tpu.memory_space<semaphore_mem>> -> memref<1x!tpu.dma_semaphore, #tpu.memory_space<semaphore_mem>>
        %dma_wait3A_300 = tpu.memref_squeeze %dma_wait3A_299 : memref<1x!tpu.dma_semaphore, #tpu.memory_space<semaphore_mem>> -> memref<!tpu.dma_semaphore, #tpu.memory_space<semaphore_mem>>
        %dma_wait3A_301 = arith.constant 0 : i32
        %dma_wait3A_302 = arith.constant 0 : i32
        %dma_wait3A_303 = tpu.memref_slice %arg14[%dma_wait3A_301, %dma_wait3A_302] : memref<10000x128xf32, #tpu.memory_space<vmem_shared>> -> memref<80x128xf32, #tpu.memory_space<vmem_shared>>
        %dma_wait3A_304 = arith.constant 0 : i32
        %dma_wait3A_305 = arith.constant 0 : i32
        %dma_wait3A_306 = tpu.memref_slice %arg12[%rem3A_291, %dma_wait3A_304, %dma_wait3A_305] : memref<3x80x128xf32, #tpu.memory_space<vmem>> -> memref<1x80x128xf32, #tpu.memory_space<vmem>>
        %dma_wait3A_307 = tpu.memref_squeeze %dma_wait3A_306 : memref<1x80x128xf32, #tpu.memory_space<vmem>> -> memref<80x128xf32, #tpu.memory_space<vmem>>
        tpu.wait_dma2 semaphore(%dma_wait3A_300 : memref<!tpu.dma_semaphore, #tpu.memory_space<semaphore_mem>>) src(%dma_wait3A_307 : memref<80x128xf32, #tpu.memory_space<vmem>>) dst(%dma_wait3A_303 : memref<80x128xf32, #tpu.memory_space<vmem_shared>>)
        %dma_wait3A_308 = arith.constant 0 : i32
        %dma_wait3A_309 = arith.constant 0 : i32
        %dma_wait3A_310 = tpu.memref_slice %arg15[%dma_wait3A_308, %dma_wait3A_309] : memref<10000x16xf32, #tpu.memory_space<vmem_shared>> -> memref<80x16xf32, #tpu.memory_space<vmem_shared>>
        %dma_wait3A_311 = tpu.memref_slice %arg19[%rem3A_291] : memref<3x!tpu.dma_semaphore, #tpu.memory_space<semaphore_mem>> -> memref<1x!tpu.dma_semaphore, #tpu.memory_space<semaphore_mem>>
        %dma_wait3A_312 = tpu.memref_squeeze %dma_wait3A_311 : memref<1x!tpu.dma_semaphore, #tpu.memory_space<semaphore_mem>> -> memref<!tpu.dma_semaphore, #tpu.memory_space<semaphore_mem>>
        %dma_wait3A_313 = arith.constant 0 : i32
        %dma_wait3A_314 = arith.constant 0 : i32
        %dma_wait3A_315 = tpu.memref_slice %arg15[%dma_wait3A_313, %dma_wait3A_314] : memref<10000x16xf32, #tpu.memory_space<vmem_shared>> -> memref<80x16xf32, #tpu.memory_space<vmem_shared>>
        tpu.wait_dma2 semaphore(%dma_wait3A_312 : memref<!tpu.dma_semaphore, #tpu.memory_space<semaphore_mem>>) src(%arg13 : memref<80x16xf32, #tpu.memory_space<vmem>>) dst(%dma_wait3A_315 : memref<80x16xf32, #tpu.memory_space<vmem_shared>>)
      } else {
      }
      %add3A_255 = arith.constant 2 : i32
      %add3A_256 = arith.addi %scan3A_206, %add3A_255 : i32
      %lt3A = arith.constant 125 : i32
      %lt3A_257 = arith.cmpi slt, %add3A_256, %lt3A : i32
      %add3A_258 = arith.constant 2 : i32
      %add3A_259 = arith.addi %scan3A_206, %add3A_258 : i32
      %rem3A_260 = arith.constant 25 : i32
      %rem3A_261 = arith.remsi %add3A_259, %rem3A_260 : i32
      %eq3A = arith.constant 0 : i32
      %eq3A_262 = arith.cmpi eq, %rem3A_261, %eq3A : i32
      %and3A = arith.andi %lt3A_257, %eq3A_262 : i1
      %convert_element_type3A_263 = arith.extui %and3A : i1 to i32
      %cond3A_264 = arith.constant 0 : i32
      %cond3A_265 = arith.cmpi ne, %convert_element_type3A_263, %cond3A_264 : i32
      scf.if %cond3A_265 {
        %add3A_289 = arith.constant 2 : i32
        %add3A_290 = arith.addi %scan3A_206, %add3A_289 : i32
        %div3A_291 = arith.constant 25 : i32
        %div3A_292 = arith.divsi %add3A_290, %div3A_291 : i32
        %rem3A_293 = arith.constant 2 : i32
        %rem3A_294 = arith.remsi %div3A_292, %rem3A_293 : i32
        %dma_wait3A_295 = arith.constant 0 : i32
        %dma_wait3A_296 = arith.constant 0 : i32
        %dma_wait3A_297 = arith.constant 0 : i32
        %dma_wait3A_298 = arith.constant 0 : i32
        %dma_wait3A_299 = tpu.memref_slice %arg10[%rem3A_294, %dma_wait3A_297, %dma_wait3A_298] : memref<2x25x80xi32, #tpu.memory_space<vmem>> -> memref<1x25x80xi32, #tpu.memory_space<vmem>>
        %dma_wait3A_300 = tpu.memref_squeeze %dma_wait3A_299 : memref<1x25x80xi32, #tpu.memory_space<vmem>> -> memref<25x80xi32, #tpu.memory_space<vmem>>
        %dma_wait3A_301 = arith.constant 0 : i32
        %dma_wait3A_302 = arith.constant 0 : i32
        %dma_wait3A_303 = tpu.memref_slice %arg3[%dma_wait3A_295, %dma_wait3A_296, %dma_wait3A_301, %dma_wait3A_302] : memref<32x5x25x80xi32, #tpu.memory_space<hbm>> -> memref<1x1x25x80xi32, #tpu.memory_space<hbm>>
        %dma_wait3A_304 = tpu.memref_squeeze %dma_wait3A_303 : memref<1x1x25x80xi32, #tpu.memory_space<hbm>> -> memref<25x80xi32, #tpu.memory_space<hbm>>
        %dma_wait3A_305 = tpu.memref_slice %arg16[%rem3A_294] : memref<2x!tpu.dma_semaphore, #tpu.memory_space<semaphore_mem>> -> memref<1x!tpu.dma_semaphore, #tpu.memory_space<semaphore_mem>>
        %dma_wait3A_306 = tpu.memref_squeeze %dma_wait3A_305 : memref<1x!tpu.dma_semaphore, #tpu.memory_space<semaphore_mem>> -> memref<!tpu.dma_semaphore, #tpu.memory_space<semaphore_mem>>
        %dma_wait3A_307 = arith.constant 0 : i32
        %dma_wait3A_308 = arith.constant 0 : i32
        %dma_wait3A_309 = tpu.memref_slice %arg10[%rem3A_294, %dma_wait3A_307, %dma_wait3A_308] : memref<2x25x80xi32, #tpu.memory_space<vmem>> -> memref<1x25x80xi32, #tpu.memory_space<vmem>>
        %dma_wait3A_310 = tpu.memref_squeeze %dma_wait3A_309 : memref<1x25x80xi32, #tpu.memory_space<vmem>> -> memref<25x80xi32, #tpu.memory_space<vmem>>
        %dma_wait3A_311 = arith.constant 0 : i32
        %dma_wait3A_312 = arith.constant 0 : i32
        %dma_wait3A_313 = tpu.memref_slice %arg3[%dma_wait3A_295, %dma_wait3A_296, %dma_wait3A_311, %dma_wait3A_312] : memref<32x5x25x80xi32, #tpu.memory_space<hbm>> -> memref<1x1x25x80xi32, #tpu.memory_space<hbm>>
        %dma_wait3A_314 = tpu.memref_squeeze %dma_wait3A_313 : memref<1x1x25x80xi32, #tpu.memory_space<hbm>> -> memref<25x80xi32, #tpu.memory_space<hbm>>
        tpu.wait_dma2 semaphore(%dma_wait3A_306 : memref<!tpu.dma_semaphore, #tpu.memory_space<semaphore_mem>>) src(%dma_wait3A_314 : memref<25x80xi32, #tpu.memory_space<hbm>>) dst(%dma_wait3A_310 : memref<25x80xi32, #tpu.memory_space<vmem>>)
        %dma_wait3A_315 = arith.constant 0 : i32
        %dma_wait3A_316 = arith.constant 0 : i32
        %dma_wait3A_317 = arith.constant 0 : i32
        %dma_wait3A_318 = arith.constant 0 : i32
        %dma_wait3A_319 = tpu.memref_slice %arg11[%rem3A_294, %dma_wait3A_317, %dma_wait3A_318] : memref<2x25x80xi32, #tpu.memory_space<vmem>> -> memref<1x25x80xi32, #tpu.memory_space<vmem>>
        %dma_wait3A_320 = tpu.memref_squeeze %dma_wait3A_319 : memref<1x25x80xi32, #tpu.memory_space<vmem>> -> memref<25x80xi32, #tpu.memory_space<vmem>>
        %dma_wait3A_321 = arith.constant 0 : i32
        %dma_wait3A_322 = arith.constant 0 : i32
        %dma_wait3A_323 = tpu.memref_slice %arg4[%dma_wait3A_315, %dma_wait3A_316, %dma_wait3A_321, %dma_wait3A_322] : memref<32x5x25x80xi32, #tpu.memory_space<hbm>> -> memref<1x1x25x80xi32, #tpu.memory_space<hbm>>
        %dma_wait3A_324 = tpu.memref_squeeze %dma_wait3A_323 : memref<1x1x25x80xi32, #tpu.memory_space<hbm>> -> memref<25x80xi32, #tpu.memory_space<hbm>>
        %dma_wait3A_325 = tpu.memref_slice %arg16[%rem3A_294] : memref<2x!tpu.dma_semaphore, #tpu.memory_space<semaphore_mem>> -> memref<1x!tpu.dma_semaphore, #tpu.memory_space<semaphore_mem>>
        %dma_wait3A_326 = tpu.memref_squeeze %dma_wait3A_325 : memref<1x!tpu.dma_semaphore, #tpu.memory_space<semaphore_mem>> -> memref<!tpu.dma_semaphore, #tpu.memory_space<semaphore_mem>>
        %dma_wait3A_327 = arith.constant 0 : i32
        %dma_wait3A_328 = arith.constant 0 : i32
        %dma_wait3A_329 = tpu.memref_slice %arg11[%rem3A_294, %dma_wait3A_327, %dma_wait3A_328] : memref<2x25x80xi32, #tpu.memory_space<vmem>> -> memref<1x25x80xi32, #tpu.memory_space<vmem>>
        %dma_wait3A_330 = tpu.memref_squeeze %dma_wait3A_329 : memref<1x25x80xi32, #tpu.memory_space<vmem>> -> memref<25x80xi32, #tpu.memory_space<vmem>>
        %dma_wait3A_331 = arith.constant 0 : i32
        %dma_wait3A_332 = arith.constant 0 : i32
        %dma_wait3A_333 = tpu.memref_slice %arg4[%dma_wait3A_315, %dma_wait3A_316, %dma_wait3A_331, %dma_wait3A_332] : memref<32x5x25x80xi32, #tpu.memory_space<hbm>> -> memref<1x1x25x80xi32, #tpu.memory_space<hbm>>
        %dma_wait3A_334 = tpu.memref_squeeze %dma_wait3A_333 : memref<1x1x25x80xi32, #tpu.memory_space<hbm>> -> memref<25x80xi32, #tpu.memory_space<hbm>>
        tpu.wait_dma2 semaphore(%dma_wait3A_326 : memref<!tpu.dma_semaphore, #tpu.memory_space<semaphore_mem>>) src(%dma_wait3A_334 : memref<25x80xi32, #tpu.memory_space<hbm>>) dst(%dma_wait3A_330 : memref<25x80xi32, #tpu.memory_space<vmem>>)
      } else {
      }
      %add3A_266 = arith.constant 2 : i32
      %add3A_267 = arith.addi %scan3A_206, %add3A_266 : i32
      %lt3A_268 = arith.constant 125 : i32
      %lt3A_269 = arith.cmpi slt, %add3A_267, %lt3A_268 : i32
      %convert_element_type3A_270 = arith.extui %lt3A_269 : i1 to i32
      %cond3A_271 = arith.constant 0 : i32
      %cond3A_272 = arith.cmpi ne, %convert_element_type3A_270, %cond3A_271 : i32
      scf.if %cond3A_272 {
        %add3A_289 = arith.constant 2 : i32
        %add3A_290 = arith.addi %scan3A_206, %add3A_289 : i32
        %div3A_291 = arith.constant 25 : i32
        %div3A_292 = arith.divsi %add3A_290, %div3A_291 : i32
        %rem3A_293 = arith.constant 2 : i32
        %rem3A_294 = arith.remsi %div3A_292, %rem3A_293 : i32
        %rem3A_295 = arith.constant 25 : i32
        %rem3A_296 = arith.remsi %add3A_290, %rem3A_295 : i32
        %rem3A_297 = arith.constant 3 : i32
        %rem3A_298 = arith.remsi %add3A_290, %rem3A_297 : i32
        %dma_start3A_299 = arith.constant 0 : i32
        %dma_start3A_300 = arith.constant 0 : i32
        %dma_start3A_301 = tpu.memref_slice %arg12[%rem3A_298, %dma_start3A_299, %dma_start3A_300] : memref<3x80x128xf32, #tpu.memory_space<vmem>> -> memref<1x80x128xf32, #tpu.memory_space<vmem>>
        %dma_start3A_302 = tpu.memref_squeeze %dma_start3A_301 : memref<1x80x128xf32, #tpu.memory_space<vmem>> -> memref<80x128xf32, #tpu.memory_space<vmem>>
        %dma_start3A_303 = arith.constant 0 : i32
        %dma_start3A_304 = tpu.memref_slice %arg10[%rem3A_294, %rem3A_296, %dma_start3A_303] : memref<2x25x80xi32, #tpu.memory_space<vmem>> -> memref<1x1x80xi32, #tpu.memory_space<vmem>>
        %dma_start3A_305 = tpu.memref_squeeze %dma_start3A_304 : memref<1x1x80xi32, #tpu.memory_space<vmem>> -> memref<80xi32, #tpu.memory_space<vmem>>
        %dma_start3A_306 = arith.constant 0 : i32
        %dma_start3A_307 = arith.constant 0 : i32
        %dma_start3A_308 = tpu.memref_slice %arg2[%dma_start3A_306, %dma_start3A_307] : memref<10000x128xf32, #tpu.memory_space<hbm>> -> memref<10000x128xf32, #tpu.memory_space<hbm>>
        %dma_start3A_309 = tpu.memref_slice %arg17[%rem3A_298] : memref<3x!tpu.dma_semaphore, #tpu.memory_space<semaphore_mem>> -> memref<1x!tpu.dma_semaphore, #tpu.memory_space<semaphore_mem>>
        %dma_start3A_310 = tpu.memref_squeeze %dma_start3A_309 : memref<1x!tpu.dma_semaphore, #tpu.memory_space<semaphore_mem>> -> memref<!tpu.dma_semaphore, #tpu.memory_space<semaphore_mem>>
        tpu.enqueue_indirect_dma source(%dma_start3A_308 : memref<10000x128xf32, #tpu.memory_space<hbm>>) target(%dma_start3A_302 : memref<80x128xf32, #tpu.memory_space<vmem>>) offsets(%dma_start3A_305 : memref<80xi32, #tpu.memory_space<vmem>>) semaphore(%dma_start3A_310 : memref<!tpu.dma_semaphore, #tpu.memory_space<semaphore_mem>>)
      } else {
      }
      %div3A_273 = arith.constant 25 : i32
      %div3A_274 = arith.divsi %scan3A_206, %div3A_273 : i32
      %add3A_275 = arith.constant 1 : i32
      %add3A_276 = arith.addi %div3A_274, %add3A_275 : i32
      %rem3A_277 = arith.constant 25 : i32
      %rem3A_278 = arith.remsi %scan3A_206, %rem3A_277 : i32
      %eq3A_279 = arith.constant 1 : i32
      %eq3A_280 = arith.cmpi eq, %rem3A_278, %eq3A_279 : i32
      %gt3A = arith.constant 25 : i32
      %gt3A_281 = arith.cmpi sgt, %scan3A_206, %gt3A : i32
      %lt3A_282 = arith.constant 5 : i32
      %lt3A_283 = arith.cmpi slt, %add3A_276, %lt3A_282 : i32
      %and3A_284 = arith.andi %gt3A_281, %lt3A_283 : i1
      %and3A_285 = arith.andi %eq3A_280, %and3A_284 : i1
      %convert_element_type3A_286 = arith.extui %and3A_285 : i1 to i32
      %cond3A_287 = arith.constant 0 : i32
      %cond3A_288 = arith.cmpi ne, %convert_element_type3A_286, %cond3A_287 : i32
      scf.if %cond3A_288 {
        %rem3A_289 = arith.constant 2 : i32
        %rem3A_290 = arith.remsi %add3A_276, %rem3A_289 : i32
        %dma_start3A_291 = arith.constant 0 : i32
        %dma_start3A_292 = arith.constant 0 : i32
        %dma_start3A_293 = tpu.memref_slice %arg10[%rem3A_290, %dma_start3A_291, %dma_start3A_292] : memref<2x25x80xi32, #tpu.memory_space<vmem>> -> memref<1x25x80xi32, #tpu.memory_space<vmem>>
        %dma_start3A_294 = tpu.memref_squeeze %dma_start3A_293 : memref<1x25x80xi32, #tpu.memory_space<vmem>> -> memref<25x80xi32, #tpu.memory_space<vmem>>
        %dma_start3A_295 = arith.constant 0 : i32
        %dma_start3A_296 = arith.constant 0 : i32
        %dma_start3A_297 = tpu.memref_slice %arg3[%add3A, %add3A_276, %dma_start3A_295, %dma_start3A_296] : memref<32x5x25x80xi32, #tpu.memory_space<hbm>> -> memref<1x1x25x80xi32, #tpu.memory_space<hbm>>
        %dma_start3A_298 = tpu.memref_squeeze %dma_start3A_297 : memref<1x1x25x80xi32, #tpu.memory_space<hbm>> -> memref<25x80xi32, #tpu.memory_space<hbm>>
        %dma_start3A_299 = tpu.memref_slice %arg16[%rem3A_290] : memref<2x!tpu.dma_semaphore, #tpu.memory_space<semaphore_mem>> -> memref<1x!tpu.dma_semaphore, #tpu.memory_space<semaphore_mem>>
        %dma_start3A_300 = tpu.memref_squeeze %dma_start3A_299 : memref<1x!tpu.dma_semaphore, #tpu.memory_space<semaphore_mem>> -> memref<!tpu.dma_semaphore, #tpu.memory_space<semaphore_mem>>
        %dma_start3A_301 = arith.constant 0 : i32
        %dma_start3A_302 = arith.constant 0 : i32
        %dma_start3A_303 = tpu.memref_slice %arg10[%rem3A_290, %dma_start3A_301, %dma_start3A_302] : memref<2x25x80xi32, #tpu.memory_space<vmem>> -> memref<1x25x80xi32, #tpu.memory_space<vmem>>
        %dma_start3A_304 = tpu.memref_squeeze %dma_start3A_303 : memref<1x25x80xi32, #tpu.memory_space<vmem>> -> memref<25x80xi32, #tpu.memory_space<vmem>>
        %dma_start3A_305 = arith.constant 0 : i32
        %dma_start3A_306 = arith.constant 0 : i32
        %dma_start3A_307 = tpu.memref_slice %arg3[%add3A, %add3A_276, %dma_start3A_305, %dma_start3A_306] : memref<32x5x25x80xi32, #tpu.memory_space<hbm>> -> memref<1x1x25x80xi32, #tpu.memory_space<hbm>>
        %dma_start3A_308 = tpu.memref_squeeze %dma_start3A_307 : memref<1x1x25x80xi32, #tpu.memory_space<hbm>> -> memref<25x80xi32, #tpu.memory_space<hbm>>
        tpu.enqueue_dma source(%dma_start3A_308 : memref<25x80xi32, #tpu.memory_space<hbm>>) target(%dma_start3A_304 : memref<25x80xi32, #tpu.memory_space<vmem>>) target_semaphore(%dma_start3A_300 : memref<!tpu.dma_semaphore, #tpu.memory_space<semaphore_mem>>)
        %dma_start3A_309 = arith.constant 0 : i32
        %dma_start3A_310 = arith.constant 0 : i32
        %dma_start3A_311 = tpu.memref_slice %arg11[%rem3A_290, %dma_start3A_309, %dma_start3A_310] : memref<2x25x80xi32, #tpu.memory_space<vmem>> -> memref<1x25x80xi32, #tpu.memory_space<vmem>>
        %dma_start3A_312 = tpu.memref_squeeze %dma_start3A_311 : memref<1x25x80xi32, #tpu.memory_space<vmem>> -> memref<25x80xi32, #tpu.memory_space<vmem>>
        %dma_start3A_313 = arith.constant 0 : i32
        %dma_start3A_314 = arith.constant 0 : i32
        %dma_start3A_315 = tpu.memref_slice %arg4[%add3A, %add3A_276, %dma_start3A_313, %dma_start3A_314] : memref<32x5x25x80xi32, #tpu.memory_space<hbm>> -> memref<1x1x25x80xi32, #tpu.memory_space<hbm>>
        %dma_start3A_316 = tpu.memref_squeeze %dma_start3A_315 : memref<1x1x25x80xi32, #tpu.memory_space<hbm>> -> memref<25x80xi32, #tpu.memory_space<hbm>>
        %dma_start3A_317 = tpu.memref_slice %arg16[%rem3A_290] : memref<2x!tpu.dma_semaphore, #tpu.memory_space<semaphore_mem>> -> memref<1x!tpu.dma_semaphore, #tpu.memory_space<semaphore_mem>>
        %dma_start3A_318 = tpu.memref_squeeze %dma_start3A_317 : memref<1x!tpu.dma_semaphore, #tpu.memory_space<semaphore_mem>> -> memref<!tpu.dma_semaphore, #tpu.memory_space<semaphore_mem>>
        %dma_start3A_319 = arith.constant 0 : i32
        %dma_start3A_320 = arith.constant 0 : i32
        %dma_start3A_321 = tpu.memref_slice %arg11[%rem3A_290, %dma_start3A_319, %dma_start3A_320] : memref<2x25x80xi32, #tpu.memory_space<vmem>> -> memref<1x25x80xi32, #tpu.memory_space<vmem>>
        %dma_start3A_322 = tpu.memref_squeeze %dma_start3A_321 : memref<1x25x80xi32, #tpu.memory_space<vmem>> -> memref<25x80xi32, #tpu.memory_space<vmem>>
        %dma_start3A_323 = arith.constant 0 : i32
        %dma_start3A_324 = arith.constant 0 : i32
        %dma_start3A_325 = tpu.memref_slice %arg4[%add3A, %add3A_276, %dma_start3A_323, %dma_start3A_324] : memref<32x5x25x80xi32, #tpu.memory_space<hbm>> -> memref<1x1x25x80xi32, #tpu.memory_space<hbm>>
        %dma_start3A_326 = tpu.memref_squeeze %dma_start3A_325 : memref<1x1x25x80xi32, #tpu.memory_space<hbm>> -> memref<25x80xi32, #tpu.memory_space<hbm>>
        tpu.enqueue_dma source(%dma_start3A_326 : memref<25x80xi32, #tpu.memory_space<hbm>>) target(%dma_start3A_322 : memref<25x80xi32, #tpu.memory_space<vmem>>) target_semaphore(%dma_start3A_318 : memref<!tpu.dma_semaphore, #tpu.memory_space<semaphore_mem>>)
      } else {
      }
    }
    %scan3A_177 = arith.constant 125 : i32
    %rem3A_178 = arith.constant 124 : i32
    %rem3A_179 = arith.constant 3 : i32
    %rem3A_180 = arith.remsi %rem3A_178, %rem3A_179 : i32
    %dma_wait3A_181 = arith.constant 0 : i32
    %dma_wait3A_182 = arith.constant 0 : i32
    %dma_wait3A_183 = tpu.memref_slice %arg12[%rem3A_180, %dma_wait3A_181, %dma_wait3A_182] : memref<3x80x128xf32, #tpu.memory_space<vmem>> -> memref<1x80x128xf32, #tpu.memory_space<vmem>>
    %dma_wait3A_184 = tpu.memref_squeeze %dma_wait3A_183 : memref<1x80x128xf32, #tpu.memory_space<vmem>> -> memref<80x128xf32, #tpu.memory_space<vmem>>
    %dma_wait3A_185 = arith.constant 0 : i32
    %dma_wait3A_186 = arith.constant 0 : i32
    %dma_wait3A_187 = tpu.memref_slice %arg14[%dma_wait3A_185, %dma_wait3A_186] : memref<10000x128xf32, #tpu.memory_space<vmem_shared>> -> memref<80x128xf32, #tpu.memory_space<vmem_shared>>
    %dma_wait3A_188 = tpu.memref_slice %arg18[%rem3A_180] : memref<3x!tpu.dma_semaphore, #tpu.memory_space<semaphore_mem>> -> memref<1x!tpu.dma_semaphore, #tpu.memory_space<semaphore_mem>>
    %dma_wait3A_189 = tpu.memref_squeeze %dma_wait3A_188 : memref<1x!tpu.dma_semaphore, #tpu.memory_space<semaphore_mem>> -> memref<!tpu.dma_semaphore, #tpu.memory_space<semaphore_mem>>
    %dma_wait3A_190 = arith.constant 0 : i32
    %dma_wait3A_191 = arith.constant 0 : i32
    %dma_wait3A_192 = tpu.memref_slice %arg14[%dma_wait3A_190, %dma_wait3A_191] : memref<10000x128xf32, #tpu.memory_space<vmem_shared>> -> memref<80x128xf32, #tpu.memory_space<vmem_shared>>
    %dma_wait3A_193 = arith.constant 0 : i32
    %dma_wait3A_194 = arith.constant 0 : i32
    %dma_wait3A_195 = tpu.memref_slice %arg12[%rem3A_180, %dma_wait3A_193, %dma_wait3A_194] : memref<3x80x128xf32, #tpu.memory_space<vmem>> -> memref<1x80x128xf32, #tpu.memory_space<vmem>>
    %dma_wait3A_196 = tpu.memref_squeeze %dma_wait3A_195 : memref<1x80x128xf32, #tpu.memory_space<vmem>> -> memref<80x128xf32, #tpu.memory_space<vmem>>
    tpu.wait_dma2 semaphore(%dma_wait3A_189 : memref<!tpu.dma_semaphore, #tpu.memory_space<semaphore_mem>>) src(%dma_wait3A_196 : memref<80x128xf32, #tpu.memory_space<vmem>>) dst(%dma_wait3A_192 : memref<80x128xf32, #tpu.memory_space<vmem_shared>>)
    %dma_wait3A_197 = arith.constant 0 : i32
    %dma_wait3A_198 = arith.constant 0 : i32
    %dma_wait3A_199 = tpu.memref_slice %arg15[%dma_wait3A_197, %dma_wait3A_198] : memref<10000x16xf32, #tpu.memory_space<vmem_shared>> -> memref<80x16xf32, #tpu.memory_space<vmem_shared>>
    %dma_wait3A_200 = tpu.memref_slice %arg19[%rem3A_180] : memref<3x!tpu.dma_semaphore, #tpu.memory_space<semaphore_mem>> -> memref<1x!tpu.dma_semaphore, #tpu.memory_space<semaphore_mem>>
    %dma_wait3A_201 = tpu.memref_squeeze %dma_wait3A_200 : memref<1x!tpu.dma_semaphore, #tpu.memory_space<semaphore_mem>> -> memref<!tpu.dma_semaphore, #tpu.memory_space<semaphore_mem>>
    %dma_wait3A_202 = arith.constant 0 : i32
    %dma_wait3A_203 = arith.constant 0 : i32
    %dma_wait3A_204 = tpu.memref_slice %arg15[%dma_wait3A_202, %dma_wait3A_203] : memref<10000x16xf32, #tpu.memory_space<vmem_shared>> -> memref<80x16xf32, #tpu.memory_space<vmem_shared>>
    tpu.wait_dma2 semaphore(%dma_wait3A_201 : memref<!tpu.dma_semaphore, #tpu.memory_space<semaphore_mem>>) src(%arg13 : memref<80x16xf32, #tpu.memory_space<vmem>>) dst(%dma_wait3A_204 : memref<80x16xf32, #tpu.memory_space<vmem_shared>>)
    %barrier3A_205 = arith.constant 0 : index
    tpu.barrier barrier_id(%barrier3A_205)
    "tpu.region"() ({
      %run_scoped3A = tpu.sem_alloc : memref<!tpu.dma_semaphore, #tpu.memory_space<semaphore_mem>>
      %dma_start3A_206 = arith.constant 0 : i32
      %dma_start3A_207 = tpu.memref_slice %arg8[%arg0, %mul3A_2, %dma_start3A_206] : memref<2x10000x128xf32, #tpu.memory_space<hbm>> -> memref<1x625x128xf32, #tpu.memory_space<hbm>>
      %dma_start3A_208 = tpu.memref_squeeze %dma_start3A_207 : memref<1x625x128xf32, #tpu.memory_space<hbm>> -> memref<625x128xf32, #tpu.memory_space<hbm>>
      %dma_start3A_209 = arith.constant 0 : i32
      %dma_start3A_210 = tpu.memref_slice %arg14[%mul3A_2, %dma_start3A_209] : memref<10000x128xf32, #tpu.memory_space<vmem_shared>> -> memref<625x128xf32, #tpu.memory_space<vmem_shared>>
      tpu.enqueue_dma source(%dma_start3A_210 : memref<625x128xf32, #tpu.memory_space<vmem_shared>>) target(%dma_start3A_208 : memref<625x128xf32, #tpu.memory_space<hbm>>) target_semaphore(%run_scoped3A : memref<!tpu.dma_semaphore, #tpu.memory_space<semaphore_mem>>)
      %dma_wait3A_211 = arith.constant 0 : i32
      %dma_wait3A_212 = tpu.memref_slice %arg8[%arg0, %mul3A_2, %dma_wait3A_211] : memref<2x10000x128xf32, #tpu.memory_space<hbm>> -> memref<1x625x128xf32, #tpu.memory_space<hbm>>
      %dma_wait3A_213 = tpu.memref_squeeze %dma_wait3A_212 : memref<1x625x128xf32, #tpu.memory_space<hbm>> -> memref<625x128xf32, #tpu.memory_space<hbm>>
      %dma_wait3A_214 = arith.constant 0 : i32
      %dma_wait3A_215 = tpu.memref_slice %arg14[%mul3A_2, %dma_wait3A_214] : memref<10000x128xf32, #tpu.memory_space<vmem_shared>> -> memref<625x128xf32, #tpu.memory_space<vmem_shared>>
      tpu.wait_dma2 semaphore(%run_scoped3A : memref<!tpu.dma_semaphore, #tpu.memory_space<semaphore_mem>>) src(%dma_wait3A_215 : memref<625x128xf32, #tpu.memory_space<vmem_shared>>) dst(%dma_wait3A_213 : memref<625x128xf32, #tpu.memory_space<hbm>>)
      tpu.yield
    }) : () -> ()
    "tpu.region"() ({
      %run_scoped3A = tpu.sem_alloc : memref<!tpu.dma_semaphore, #tpu.memory_space<semaphore_mem>>
      %dma_start3A_206 = arith.constant 0 : i32
      %dma_start3A_207 = tpu.memref_slice %arg9[%arg0, %mul3A_2, %dma_start3A_206] : memref<2x10000x16xf32, #tpu.memory_space<hbm>> -> memref<1x625x16xf32, #tpu.memory_space<hbm>>
      %dma_start3A_208 = tpu.memref_squeeze %dma_start3A_207 : memref<1x625x16xf32, #tpu.memory_space<hbm>> -> memref<625x16xf32, #tpu.memory_space<hbm>>
      %dma_start3A_209 = arith.constant 0 : i32
      %dma_start3A_210 = tpu.memref_slice %arg15[%mul3A_2, %dma_start3A_209] : memref<10000x16xf32, #tpu.memory_space<vmem_shared>> -> memref<625x16xf32, #tpu.memory_space<vmem_shared>>
      tpu.enqueue_dma source(%dma_start3A_210 : memref<625x16xf32, #tpu.memory_space<vmem_shared>>) target(%dma_start3A_208 : memref<625x16xf32, #tpu.memory_space<hbm>>) target_semaphore(%run_scoped3A : memref<!tpu.dma_semaphore, #tpu.memory_space<semaphore_mem>>)
      %dma_wait3A_211 = arith.constant 0 : i32
      %dma_wait3A_212 = tpu.memref_slice %arg9[%arg0, %mul3A_2, %dma_wait3A_211] : memref<2x10000x16xf32, #tpu.memory_space<hbm>> -> memref<1x625x16xf32, #tpu.memory_space<hbm>>
      %dma_wait3A_213 = tpu.memref_squeeze %dma_wait3A_212 : memref<1x625x16xf32, #tpu.memory_space<hbm>> -> memref<625x16xf32, #tpu.memory_space<hbm>>
      %dma_wait3A_214 = arith.constant 0 : i32
      %dma_wait3A_215 = tpu.memref_slice %arg15[%mul3A_2, %dma_wait3A_214] : memref<10000x16xf32, #tpu.memory_space<vmem_shared>> -> memref<625x16xf32, #tpu.memory_space<vmem_shared>>
      tpu.wait_dma2 semaphore(%run_scoped3A : memref<!tpu.dma_semaphore, #tpu.memory_space<semaphore_mem>>) src(%dma_wait3A_215 : memref<625x16xf32, #tpu.memory_space<vmem_shared>>) dst(%dma_wait3A_213 : memref<625x16xf32, #tpu.memory_space<hbm>>)
      tpu.yield
    }) : () -> ()
    return
  }
}

module attributes {stable_mosaic.version = 14 : i64} {
  func.func @_tc_update_body(%arg0: i32, %arg1: memref<2x2000x128xf32, #tpu.memory_space<vmem>>, %arg2: memref<2x2000x16xf32, #tpu.memory_space<vmem>>, %arg3: memref<2000x128xf32, #tpu.memory_space<vmem>>, %arg4: memref<128x128xf32, #tpu.memory_space<vmem>>, %arg5: memref<1x128xf32, #tpu.memory_space<vmem>>, %arg6: memref<128x128xf32, #tpu.memory_space<vmem>>, %arg7: memref<2000x128xf32, #tpu.memory_space<vmem>>) attributes {dimension_semantics = [#tpu.dimension_semantics<arbitrary>], iteration_bounds = array<i64: 5>, scalar_prefetch = 0 : i64, scratch_operands = 0 : i64, tpu.core_type = #tpu.core_type<tc>, window_params = [{transform_indices = @transform_0, window_bounds = array<i64: 2, 2000, 128>}, {transform_indices = @transform_1, window_bounds = array<i64: 2, 2000, 16>}, {transform_indices = @transform_2, window_bounds = array<i64: 2000, 128>}, {pipeline_mode = #tpu.pipeline_mode<synchronous>, transform_indices = @transform_3, window_bounds = array<i64: 128, 128>}, {pipeline_mode = #tpu.pipeline_mode<synchronous>, transform_indices = @transform_4, window_bounds = array<i64: 1, 128>}, {pipeline_mode = #tpu.pipeline_mode<synchronous>, transform_indices = @transform_5, window_bounds = array<i64: 128, 128>}, {transform_indices = @transform_6, window_bounds = array<i64: 2000, 128>}]} {
    %get3A = arith.constant 0 : index
    %get3A_0 = arith.constant 0 : index
    %get3A_1 = arith.constant 0 : index
    %get3A_2 = vector.load %arg1[%get3A, %get3A_0, %get3A_1] : memref<2x2000x128xf32, #tpu.memory_space<vmem>>, vector<1x2000x128xf32>
    %get3A_3 = vector.shape_cast %get3A_2 : vector<1x2000x128xf32> to vector<2000x128xf32>
    %get3A_4 = arith.constant 1 : index
    %get3A_5 = arith.constant 0 : index
    %get3A_6 = arith.constant 0 : index
    %get3A_7 = vector.load %arg1[%get3A_4, %get3A_5, %get3A_6] : memref<2x2000x128xf32, #tpu.memory_space<vmem>>, vector<1x2000x128xf32>
    %get3A_8 = vector.shape_cast %get3A_7 : vector<1x2000x128xf32> to vector<2000x128xf32>
    %add3A = arith.addf %get3A_3, %get3A_8 : vector<2000x128xf32>
    %get3A_9 = arith.constant 0 : index
    %get3A_10 = arith.constant 0 : index
    %get3A_11 = arith.constant 0 : index
    %get3A_12 = vector.load %arg2[%get3A_9, %get3A_10, %get3A_11] : memref<2x2000x16xf32, #tpu.memory_space<vmem>>, vector<1x2000x1xf32>
    %get3A_13 = vector.shape_cast %get3A_12 : vector<1x2000x1xf32> to vector<2000x1xf32>
    %get3A_14 = arith.constant 1 : index
    %get3A_15 = arith.constant 0 : index
    %get3A_16 = arith.constant 0 : index
    %get3A_17 = vector.load %arg2[%get3A_14, %get3A_15, %get3A_16] : memref<2x2000x16xf32, #tpu.memory_space<vmem>>, vector<1x2000x1xf32>
    %get3A_18 = vector.shape_cast %get3A_17 : vector<1x2000x1xf32> to vector<2000x1xf32>
    %add3A_19 = arith.addf %get3A_13, %get3A_18 : vector<2000x1xf32>
    %max3A = arith.constant 1.000000e+00 : f32
    %max3A_20 = vector.broadcast %max3A : f32 to vector<2000x1xf32>
    %max3A_21 = arith.maximumf %add3A_19, %max3A_20 : vector<2000x1xf32>
    %div3A = vector.broadcast %max3A_21 : vector<2000x1xf32> to vector<2000x128xf32>
    %div3A_22 = arith.divf %add3A, %div3A : vector<2000x128xf32>
    %get3A_23 = arith.constant 0 : index
    %get3A_24 = arith.constant 0 : index
    %get3A_25 = vector.load %arg4[%get3A_23, %get3A_24] : memref<128x128xf32, #tpu.memory_space<vmem>>, vector<128x128xf32>
    %dot_general3A = arith.constant dense<0.000000e+00> : vector<2000x128xf32>
    %dot_general3A_26 = tpu.matmul %div3A_22, %get3A_25, %dot_general3A {dimension_numbers = #tpu.dot_dimension_numbers<[1], [0], [0], [1], [0, 0, 1, 1], [], []>, transpose_lhs_hint = false} : vector<2000x128xf32>, vector<128x128xf32>, vector<2000x128xf32> -> vector<2000x128xf32>
    %get3A_27 = arith.constant 0 : index
    %get3A_28 = arith.constant 0 : index
    %get3A_29 = vector.load %arg5[%get3A_27, %get3A_28] : memref<1x128xf32, #tpu.memory_space<vmem>>, vector<1x128xf32>
    %add3A_30 = vector.broadcast %get3A_29 : vector<1x128xf32> to vector<2000x128xf32>
    %add3A_31 = arith.addf %dot_general3A_26, %add3A_30 : vector<2000x128xf32>
    %get3A_32 = arith.constant 0 : index
    %get3A_33 = arith.constant 0 : index
    %get3A_34 = vector.load %arg3[%get3A_32, %get3A_33] : memref<2000x128xf32, #tpu.memory_space<vmem>>, vector<2000x128xf32>
    %get3A_35 = arith.constant 0 : index
    %get3A_36 = arith.constant 0 : index
    %get3A_37 = vector.load %arg6[%get3A_35, %get3A_36] : memref<128x128xf32, #tpu.memory_space<vmem>>, vector<128x128xf32>
    %dot_general3A_38 = arith.constant dense<0.000000e+00> : vector<2000x128xf32>
    %dot_general3A_39 = tpu.matmul %get3A_34, %get3A_37, %dot_general3A_38 {dimension_numbers = #tpu.dot_dimension_numbers<[1], [0], [0], [1], [0, 0, 1, 1], [], []>, transpose_lhs_hint = false} : vector<2000x128xf32>, vector<128x128xf32>, vector<2000x128xf32> -> vector<2000x128xf32>
    %add3A_40 = arith.addf %add3A_31, %dot_general3A_39 : vector<2000x128xf32>
    %max3A_41 = arith.constant 0.000000e+00 : f32
    %max3A_42 = vector.broadcast %max3A_41 : f32 to vector<2000x128xf32>
    %max3A_43 = arith.maximumf %add3A_40, %max3A_42 : vector<2000x128xf32>
    %swap3A = arith.constant 0 : index
    %swap3A_44 = arith.constant 0 : index
    %swap3A_45 = vector.load %arg7[%swap3A, %swap3A_44] : memref<2000x128xf32, #tpu.memory_space<vmem>>, vector<2000x128xf32>
    tpu.vector_store %arg7[%swap3A, %swap3A_44], %max3A_43 {strides = array<i32>} : memref<2000x128xf32, #tpu.memory_space<vmem>>, vector<2000x128xf32>,
    return
  }
  func.func @transform_0(%arg0: i32) -> (i32, i32, i32) {
    %c0_i32 = arith.constant 0 : i32
    %c0_i32_0 = arith.constant 0 : i32
    %c0_i32_1 = arith.constant 0 : i32
    return %c0_i32, %arg0, %c0_i32_0 : i32, i32, i32
  }
  func.func @transform_1(%arg0: i32) -> (i32, i32, i32) {
    %c0_i32 = arith.constant 0 : i32
    %c0_i32_0 = arith.constant 0 : i32
    %c0_i32_1 = arith.constant 0 : i32
    return %c0_i32, %arg0, %c0_i32_0 : i32, i32, i32
  }
  func.func @transform_2(%arg0: i32) -> (i32, i32) {
    %c0_i32 = arith.constant 0 : i32
    %c0_i32_0 = arith.constant 0 : i32
    return %arg0, %c0_i32 : i32, i32
  }
  func.func @transform_3(%arg0: i32) -> (i32, i32) {
    %c0_i32 = arith.constant 0 : i32
    %c0_i32_0 = arith.constant 0 : i32
    %c0_i32_1 = arith.constant 0 : i32
    return %c0_i32, %c0_i32_0 : i32, i32
  }
  func.func @transform_4(%arg0: i32) -> (i32, i32) {
    %c0_i32 = arith.constant 0 : i32
    %c0_i32_0 = arith.constant 0 : i32
    %c0_i32_1 = arith.constant 0 : i32
    return %c0_i32, %c0_i32_0 : i32, i32
  }
  func.func @transform_5(%arg0: i32) -> (i32, i32) {
    %c0_i32 = arith.constant 0 : i32
    %c0_i32_0 = arith.constant 0 : i32
    %c0_i32_1 = arith.constant 0 : i32
    return %c0_i32, %c0_i32_0 : i32, i32
  }
  func.func @transform_6(%arg0: i32) -> (i32, i32) {
    %c0_i32 = arith.constant 0 : i32
    %c0_i32_0 = arith.constant 0 : i32
    return %arg0, %c0_i32 : i32, i32
  }
}

module attributes {stable_mosaic.version = 14 : i64} {
  func.func @_tc_update_body(%arg0: i32, %arg1: memref<2x2000x128xf32, #tpu.memory_space<vmem>>, %arg2: memref<2x2000x16xf32, #tpu.memory_space<vmem>>, %arg3: memref<2000x128xf32, #tpu.memory_space<vmem>>, %arg4: memref<128x128xf32, #tpu.memory_space<vmem>>, %arg5: memref<1x128xf32, #tpu.memory_space<vmem>>, %arg6: memref<128x128xf32, #tpu.memory_space<vmem>>, %arg7: memref<2000x128xf32, #tpu.memory_space<vmem>>) attributes {dimension_semantics = [#tpu.dimension_semantics<arbitrary>], iteration_bounds = array<i64: 5>, scalar_prefetch = 0 : i64, scratch_operands = 0 : i64, tpu.core_type = #tpu.core_type<tc>, window_params = [{transform_indices = @transform_0, window_bounds = array<i64: 2, 2000, 128>}, {transform_indices = @transform_1, window_bounds = array<i64: 2, 2000, 16>}, {transform_indices = @transform_2, window_bounds = array<i64: 2000, 128>}, {pipeline_mode = #tpu.pipeline_mode<synchronous>, transform_indices = @transform_3, window_bounds = array<i64: 128, 128>}, {pipeline_mode = #tpu.pipeline_mode<synchronous>, transform_indices = @transform_4, window_bounds = array<i64: 1, 128>}, {pipeline_mode = #tpu.pipeline_mode<synchronous>, transform_indices = @transform_5, window_bounds = array<i64: 128, 128>}, {transform_indices = @transform_6, window_bounds = array<i64: 2000, 128>}]} {
    %get3A = arith.constant 0 : index
    %get3A_0 = arith.constant 0 : index
    %get3A_1 = arith.constant 0 : index
    %get3A_2 = vector.load %arg1[%get3A, %get3A_0, %get3A_1] : memref<2x2000x128xf32, #tpu.memory_space<vmem>>, vector<1x2000x128xf32>
    %get3A_3 = vector.shape_cast %get3A_2 : vector<1x2000x128xf32> to vector<2000x128xf32>
    %get3A_4 = arith.constant 1 : index
    %get3A_5 = arith.constant 0 : index
    %get3A_6 = arith.constant 0 : index
    %get3A_7 = vector.load %arg1[%get3A_4, %get3A_5, %get3A_6] : memref<2x2000x128xf32, #tpu.memory_space<vmem>>, vector<1x2000x128xf32>
    %get3A_8 = vector.shape_cast %get3A_7 : vector<1x2000x128xf32> to vector<2000x128xf32>
    %add3A = arith.addf %get3A_3, %get3A_8 : vector<2000x128xf32>
    %get3A_9 = arith.constant 0 : index
    %get3A_10 = arith.constant 0 : index
    %get3A_11 = arith.constant 0 : index
    %get3A_12 = vector.load %arg2[%get3A_9, %get3A_10, %get3A_11] : memref<2x2000x16xf32, #tpu.memory_space<vmem>>, vector<1x2000x1xf32>
    %get3A_13 = vector.shape_cast %get3A_12 : vector<1x2000x1xf32> to vector<2000x1xf32>
    %get3A_14 = arith.constant 1 : index
    %get3A_15 = arith.constant 0 : index
    %get3A_16 = arith.constant 0 : index
    %get3A_17 = vector.load %arg2[%get3A_14, %get3A_15, %get3A_16] : memref<2x2000x16xf32, #tpu.memory_space<vmem>>, vector<1x2000x1xf32>
    %get3A_18 = vector.shape_cast %get3A_17 : vector<1x2000x1xf32> to vector<2000x1xf32>
    %add3A_19 = arith.addf %get3A_13, %get3A_18 : vector<2000x1xf32>
    %max3A = arith.constant 1.000000e+00 : f32
    %max3A_20 = vector.broadcast %max3A : f32 to vector<2000x1xf32>
    %max3A_21 = arith.maximumf %add3A_19, %max3A_20 : vector<2000x1xf32>
    %div3A = vector.broadcast %max3A_21 : vector<2000x1xf32> to vector<2000x128xf32>
    %div3A_22 = arith.divf %add3A, %div3A : vector<2000x128xf32>
    %get3A_23 = arith.constant 0 : index
    %get3A_24 = arith.constant 0 : index
    %get3A_25 = vector.load %arg4[%get3A_23, %get3A_24] : memref<128x128xf32, #tpu.memory_space<vmem>>, vector<128x128xf32>
    %dot_general3A = arith.constant dense<0.000000e+00> : vector<2000x128xf32>
    %dot_general3A_26 = tpu.matmul %div3A_22, %get3A_25, %dot_general3A {dimension_numbers = #tpu.dot_dimension_numbers<[1], [0], [0], [1], [0, 0, 1, 1], [], []>, transpose_lhs_hint = false} : vector<2000x128xf32>, vector<128x128xf32>, vector<2000x128xf32> -> vector<2000x128xf32>
    %get3A_27 = arith.constant 0 : index
    %get3A_28 = arith.constant 0 : index
    %get3A_29 = vector.load %arg5[%get3A_27, %get3A_28] : memref<1x128xf32, #tpu.memory_space<vmem>>, vector<1x128xf32>
    %add3A_30 = vector.broadcast %get3A_29 : vector<1x128xf32> to vector<2000x128xf32>
    %add3A_31 = arith.addf %dot_general3A_26, %add3A_30 : vector<2000x128xf32>
    %get3A_32 = arith.constant 0 : index
    %get3A_33 = arith.constant 0 : index
    %get3A_34 = vector.load %arg3[%get3A_32, %get3A_33] : memref<2000x128xf32, #tpu.memory_space<vmem>>, vector<2000x128xf32>
    %get3A_35 = arith.constant 0 : index
    %get3A_36 = arith.constant 0 : index
    %get3A_37 = vector.load %arg6[%get3A_35, %get3A_36] : memref<128x128xf32, #tpu.memory_space<vmem>>, vector<128x128xf32>
    %dot_general3A_38 = arith.constant dense<0.000000e+00> : vector<2000x128xf32>
    %dot_general3A_39 = tpu.matmul %get3A_34, %get3A_37, %dot_general3A_38 {dimension_numbers = #tpu.dot_dimension_numbers<[1], [0], [0], [1], [0, 0, 1, 1], [], []>, transpose_lhs_hint = false} : vector<2000x128xf32>, vector<128x128xf32>, vector<2000x128xf32> -> vector<2000x128xf32>
    %add3A_40 = arith.addf %add3A_31, %dot_general3A_39 : vector<2000x128xf32>
    %swap3A = arith.constant 0 : index
    %swap3A_41 = arith.constant 0 : index
    %swap3A_42 = vector.load %arg7[%swap3A, %swap3A_41] : memref<2000x128xf32, #tpu.memory_space<vmem>>, vector<2000x128xf32>
    tpu.vector_store %arg7[%swap3A, %swap3A_41], %add3A_40 {strides = array<i32>} : memref<2000x128xf32, #tpu.memory_space<vmem>>, vector<2000x128xf32>,
    return
  }
  func.func @transform_0(%arg0: i32) -> (i32, i32, i32) {
    %c0_i32 = arith.constant 0 : i32
    %c0_i32_0 = arith.constant 0 : i32
    %c0_i32_1 = arith.constant 0 : i32
    return %c0_i32, %arg0, %c0_i32_0 : i32, i32, i32
  }
  func.func @transform_1(%arg0: i32) -> (i32, i32, i32) {
    %c0_i32 = arith.constant 0 : i32
    %c0_i32_0 = arith.constant 0 : i32
    %c0_i32_1 = arith.constant 0 : i32
    return %c0_i32, %arg0, %c0_i32_0 : i32, i32, i32
  }
  func.func @transform_2(%arg0: i32) -> (i32, i32) {
    %c0_i32 = arith.constant 0 : i32
    %c0_i32_0 = arith.constant 0 : i32
    return %arg0, %c0_i32 : i32, i32
  }
  func.func @transform_3(%arg0: i32) -> (i32, i32) {
    %c0_i32 = arith.constant 0 : i32
    %c0_i32_0 = arith.constant 0 : i32
    %c0_i32_1 = arith.constant 0 : i32
    return %c0_i32, %c0_i32_0 : i32, i32
  }
  func.func @transform_4(%arg0: i32) -> (i32, i32) {
    %c0_i32 = arith.constant 0 : i32
    %c0_i32_0 = arith.constant 0 : i32
    %c0_i32_1 = arith.constant 0 : i32
    return %c0_i32, %c0_i32_0 : i32, i32
  }
  func.func @transform_5(%arg0: i32) -> (i32, i32) {
    %c0_i32 = arith.constant 0 : i32
    %c0_i32_0 = arith.constant 0 : i32
    %c0_i32_1 = arith.constant 0 : i32
    return %c0_i32, %c0_i32_0 : i32, i32
  }
  func.func @transform_6(%arg0: i32) -> (i32, i32) {
    %c0_i32 = arith.constant 0 : i32
    %c0_i32_0 = arith.constant 0 : i32
    return %arg0, %c0_i32 : i32, i32
  }
}

</mosaic_0001>

<sc_bundles>
// kernel: kernel.6.cloned.1.call-start
scs
__scs_entry_jumppad:
0x0: {  	(pc) =	sbr.rel $0x88, $3  }
0x1: {  	(tag) =	ssettag $0x0;
	lr =	simm.s32 $0x1  }
0x2: {  	[smem:$0x3F99] =	sst lr;
	_ =	strace $0xD0000000  }
0x3: {  	_ = 	snop  }
0x4: {  	_ = 	snop  }
0x5: {  	_ = 	snop  }
0x6: {  	_ = 	snop  }
0x7: {  	_ = 	snop  }
__scs_overlays_trampoline_lowered:
0x8: {  	[smem:$0x3FA8] =	sst s0  }
0x9: {  	[smem:$0x3FA9] =	sst s1  }
0xa: {  	[smem:$0x3FAA] =	sst s2  }
0xb: {  	[smem:$0x3FAB] =	sst s3  }
0xc: {  	[smem:$0x3FAC] =	sst s4  }
0xd: {  	[smem:$0x3FAD] =	sst s5  }
0xe: {  	[smem:$0x3FAE] =	sst s6  }
0xf: {  	[smem:$0x3FAF] =	sst s7  }
0x10: {  	[smem:$0x3FB0] =	sst s8  }
0x11: {  	[smem:$0x3FB1] =	sst s9;
	s0 =	simm.s32 @!p0 $0x0  }
0x12: {  	s1 =	sld [smem:$0x3F97];
	s0 =	simm.s32 @p0 $0x1  }
0x13: {  	[smem:$0x3FB2] =	sst s0;
	s0 =	simm.s32 @!p1 $0x0  }
0x14: {  	s2 =	sld [smem:$0x3F96];
	s0 =	simm.s32 @p1 $0x1  }
0x15: {  	[smem:$0x3FB3] =	sst s0;
	s0 =	simm.s32 @!p2 $0x0  }
0x16: {  	s3 =	sld [smem:$0x3FDB];
	s0 =	simm.s32 @p2 $0x1  }
0x17: {  	s4 =	simm.s32 $0x1BF5;
	[smem:$0x3FB5] =	sst s0  }
0x18: {  	s0 =	sld [smem:$0x3F98];
	_ =	swait.ge [sflag:s4], $0x0  }
0x19: {  	s7 =	sld [smem:$0x3F99]  }
0x1a: {  	s8 =	sadd.s32 $0xFFFFE003, lr  }
0x1b: {  	s9 =	sadd.s32 $0xFFFFFEF7, lr;
	s5 =	simm.s32 $0xFFFFFFFF;
	p2 =	slt.u32 s8, $0xFFFFF086  }
0x1c: {  	p1 =	slt.u32 s9, $0xF7A;
	s5 =	simm.s32 @!p2 $0x0  }
0x1d: {  	s5 =	simm.s32 @p1 $0x1;
	p0 =	seq.s32 s7, s2  }
0x1e: {  	s7 =	smul.u32 @!p0 $0xF7A, s2;
	p2 =	seq.s32 @!p0 s5, $0x0  }
0x1f: {  	s9 =	smul.u32 $0xF7A, s1;
	s8 =	simm.s32 @!p0 $0x1BF5;
	p2 =	por !p2, p0  }
0x20: {  	[sflag:s8] =	ssyncset.s32 @!p0 $0xFFFFF086;
	s6 =	sadd.s32 @!p0 s3, s7;
	s7 =	simm.s32 @!p0 $0x108  }
0x21: {  	s3 =	sadd.s32 s3, s9;
	s6 =	sadd.s32 @!p0 $0x88, s6;
	s7 =	simm.s32 @p2 $0x1082  }
0x22: {  	[simem:s7], [sflag:s8] =	dma.local @!p0 [hbm:s6], $0xF7A  }
0x23: {  	s9 =	sor.u32 $0xD0000000, s2;
	s6 =	simm.s32 $0x108;
	_ =	swait.ge @!p0 [sflag:s8], $0x0  }
0x24: {  	s3 =	sadd.s32 $0x88, s3;
	s6 =	simm.s32 @!p1 $0x1082;
	[sflag:s4] =	ssyncset.s32 $0xFFFFF086  }
0x25: {  	[simem:s6], [sflag:s4] =	dma.local [hbm:s3], $0xF7A  }
0x26: {  	[smem:$0x3F99] =	sst s1;
	(tag) =	ssettag s2;
	_ =	strace s9  }
0x27: {  	s1 =	sld [smem:$0x3FA9]  }
0x28: {  	s2 =	sld [smem:$0x3FAA]  }
0x29: {  	s4 =	sld [smem:$0x3FAC]  }
0x2a: {  	p0 =	seq.s32 s5, $0x0;
	s5 =	sld [smem:$0x3FAD]  }
0x2b: {  	s6 =	sld [smem:$0x3FAE]  }
0x2c: {  	s7 =	sld [smem:$0x3FAF]  }
0x2d: {  	s3 =	simm.s32 $0x108;
	s8 =	sld [smem:$0x3FB0]  }
0x2e: {  	s3 =	simm.s32 @!p0 $0x1082;
	s9 =	sld [smem:$0x3FB1]  }
0x2f: {  	lr =	sadd.s32 s0, s3;
	s0 =	sld [smem:$0x3FA8]  }
0x30: {  	s3 =	sld [smem:$0x3FAB]  }
0x31: {  	[smem:$0x3FB4] =	sst s10  }
0x32: {  	s10 =	sld [smem:$0x3FB2];
	_ =	sdelay $0x3  }
0x33: {  	p0 =	seq.s32 s10, $0x1;
	s10 =	sld [smem:$0x3FB4];
	_ =	sdelay $0x3  }
0x34: {  	[smem:$0x3FB4] =	sst s10  }
0x35: {  	s10 =	sld [smem:$0x3FB3];
	_ =	sdelay $0x3  }
0x36: {  	p1 =	seq.s32 s10, $0x1;
	s10 =	sld [smem:$0x3FB4];
	_ =	sdelay $0x3  }
0x37: {  	[smem:$0x3FB4] =	sst s10  }
0x38: {  	s10 =	sld [smem:$0x3FB5]  }
0x39: {  	_ = 	snop;
	(pc) =	sbr.ind lr, $3  }
0x3a: {  	_ = 	snop  }
0x3b: {  	_ = 	snop  }
0x3c: {  	p2 =	seq.s32 s10, $0x1;
	s10 =	sld [smem:$0x3FB4]  }
0x3d: {  	_ =	shalt  }
0x3e: {  	_ =	shalt  }
0x3f: {  	_ =	shalt  }
0x40: {  	_ =	shalt  }
0x41: {  	_ =	shalt  }
0x42: {  	_ =	shalt  }
0x43: {  	_ =	shalt  }
0x44: {  	_ =	shalt  }
0x45: {  	_ =	shalt  }
0x46: {  	_ =	shalt  }
0x47: {  	_ =	shalt  }
0x48: {  	_ =	shalt  }
0x49: {  	_ =	shalt  }
0x4a: {  	_ =	shalt  }
0x4b: {  	_ =	shalt  }
0x4c: {  	_ =	shalt  }
0x4d: {  	_ =	shalt  }
0x4e: {  	_ =	shalt  }
0x4f: {  	_ =	shalt  }
0x50: {  	_ =	shalt  }
0x51: {  	_ =	shalt  }
0x52: {  	_ =	shalt  }
0x53: {  	_ =	shalt  }
0x54: {  	_ =	shalt  }
0x55: {  	_ =	shalt  }
0x56: {  	_ =	shalt  }
0x57: {  	_ =	shalt  }
0x58: {  	_ =	shalt  }
0x59: {  	_ =	shalt  }
0x5a: {  	_ =	shalt  }
0x5b: {  	_ =	shalt  }
0x5c: {  	_ =	shalt  }
0x5d: {  	_ =	shalt  }
0x5e: {  	_ =	shalt  }
0x5f: {  	_ =	shalt  }
0x60: {  	_ =	shalt  }
0x61: {  	_ =	shalt  }
0x62: {  	_ =	shalt  }
0x63: {  	_ =	shalt  }
0x64: {  	_ =	shalt  }
0x65: {  	_ =	shalt  }
0x66: {  	_ =	shalt  }
0x67: {  	_ =	shalt  }
0x68: {  	_ =	shalt  }
0x69: {  	_ =	shalt  }
0x6a: {  	_ =	shalt  }
0x6b: {  	_ =	shalt  }
0x6c: {  	_ =	shalt  }
0x6d: {  	_ =	shalt  }
0x6e: {  	_ =	shalt  }
0x6f: {  	_ =	shalt  }
0x70: {  	_ =	shalt  }
0x71: {  	_ =	shalt  }
0x72: {  	_ =	shalt  }
0x73: {  	_ =	shalt  }
0x74: {  	_ =	shalt  }
0x75: {  	_ =	shalt  }
0x76: {  	_ =	shalt  }
0x77: {  	_ =	shalt  }
0x78: {  	_ =	shalt  }
0x79: {  	_ =	shalt  }
0x7a: {  	_ =	shalt  }
0x7b: {  	_ =	shalt  }
0x7c: {  	_ =	shalt  }
0x7d: {  	_ =	shalt  }
0x7e: {  	_ =	shalt  }
0x7f: {  	_ =	shalt  }
0x80: {  	_ =	shalt  }
0x81: {  	_ =	shalt  }
0x82: {  	_ =	shalt  }
0x83: {  	_ =	shalt  }
0x84: {  	_ =	shalt  }
0x85: {  	_ =	shalt  }
0x86: {  	_ =	shalt  }
0x87: {  	_ =	shalt  }
.Lfunc_end0:
.L_simem_size_0:
called_computation_lowered:
.L_overlay_start_0:
0x88: {  	s2 =	sld [smem:$0x3FD9]  }
0x89: {  	s3 =	sld [smem:$0x3FFE];
	_ =	sdelay $0x1  }
0x8a: {  	s1 =	srdreg.scid  }
0x8b: {  	s0 =	sand.u32 $0x1, s1  }
0x8c: {  	s17 =	sshll.u32 s0, $0xA;
	s2 =	sadd.s32 s3, s2  }
0x8d: {  	s2 =	sadd.s32 s2, s17  }
0x8e: {  	[smem:$0x3FC0] =	sst s2  }
0x8f: {  	_ = 	snop  }
0x90: {  	s2 =	sld [smem:$0x3FC9]  }
0x91: {  	s18 =	sld [smem:$0x3FD0];
	(tm) =	ssettm $0x1  }
0x92: {  	s4 =	sld [smem:$0x3FFB];
	_ =	sdelay $0x3  }
0x93: {  	_ =	strace s4  }
0x94: {  	s4 =	sld [smem:$0x3FFC];
	_ =	sdelay $0x3  }
0x95: {  	_ =	strace s4  }
0x96: {  	s4 =	sld [smem:$0x3FFD];
	_ =	sdelay $0x3  }
0x97: {  	_ =	strace s4  }
0x98: {  	_ =	strace $0x8FFFFFFF  }
0x99: {  	s19 =	sld [smem:$0x3FDB];
	_ =	sdelay $0x1  }
0x9a: {  	s5 =	simm.s32 $_scs_section_size  }
0x9b: {  	s6 =	simm.s32 $_size__tile_overlayer_lowered;
	s7 =	simm.s32 $_tile_overlayer_lowered  }
0x9c: {  	s22 =	simm.s32 $0x1BFF;
	s21 =	sshll.u32 s7, $0x1;
	s4 =	sadd.s32 s5, s19  }
0x9d: {  	s8 =	simm.s32 $0x0;
	s20 =	sshll.u32 s6, $0x1;
	s6 =	sadd.s32 s21, s4  }
0x9e: {  	[timem:s8], [sflag:s22] =	dma.local [hbm:s6], s20  }
0x9f: {  	_ =	swait.ge [sflag:s22], s20  }
0xa0: {  	s5 =	ssub.s32 $0x0, s20;
	[sflag:s22] =	ssyncset.done $0x0  }
0xa1: {  	[sflag:s22] =	ssyncadd.s32 s5;
	_ =	sdelay $0x1  }
0xa2: {  	s23 =	simm.s32 $0x1B8B  }
0xa3: {  	_ =	swait.ge [sflag:s23], $0x1  }
0xa4: {  	[sflag:s23] =	ssyncset.done $0x0  }
0xa5: {  	s25 =	simm.s32 $0x1B8E;
	s24 =	sld [smem:$0x3FFE];
	[sflag:s23] =	ssyncadd.s32 $0xFFFFFFFF  }
0xa6: {  	s26 =	simm.s32 $execute0_lowered;
	[smem:$0x3FD2] =	sst s25  }
0xa7: {  	s6 =	sshll.u32 s26, $0x1;
	_ =	strace $0x80000046;
	[dreg:$0x1] =	wrdreg $0xFFFFFFFF  }
0xa8: {  	s28 =	simm.s32 $_size_execute0_lowered;
	s4 =	sadd.s32 s4, s6;
	[dreg:$0x0] =	wrdreg $0x0  }
0xa9: {  	s6 =	sshll.u32 s28, $0x1;
	[dreg:$0x2] =	wrdreg s4  }
0xaa: {  	[dreg:$0x3] =	wrdreg s6  }
0xab: {  	[dreg:$0x4] =	wrdreg $0xC0  }
0xac: {  	_ =	task [dreg:s8], $0x5FFFF  }
0xad: {  	[dreg:$0x1] =	wrdreg $0xFFFFFFFF  }
0xae: {  	[dreg:$0x0] =	wrdreg $0x60  }
0xaf: {  	[dreg:$0x2] =	wrdreg s2  }
0xb0: {  	[dreg:$0x3] =	wrdreg s24  }
0xb1: {  	[dreg:$0x4] =	wrdreg s18  }
0xb2: {  	[dreg:$0x5] =	wrdreg $0x9C400  }
0xb3: {  	[dreg:$0x6] =	wrdreg $0x1D4C00  }
0xb4: {  	[dreg:$0x7] =	wrdreg $0x9  }
0xb5: {  	_ =	task.clear_ibuf [dreg:s8], $0x8FFFF;
	_ =	strace $0x90000046  }
0xb6: {  	s29 =	simm.s32 $0x9;
	_ =	strace $0x80000048  }
0xb7: {  	_ =	swait.ge [sflag:s29], $0x1  }
0xb8: {  	[sflag:s29] =	ssyncadd.s32 $0xFFFFFFFF  }
0xb9: {  	_ =	strace $0x90000048  }
0xba: {  	_ =	sfence  }
0xbb: {  	s30 =	sld [smem:$0x0];
	_ =	sdelay $0x2  }
0xbc: {  	s31 =	sshll.u32 s1, $0xD;
	s1 =	sshrl.u32 s1, $0x2  }
0xbd: {  	s3 =	sand.u32 $0x4000, s31;
	s1 =	sadd.s32 s1, s30  }
0xbe: {  	s0 =	sor.u32 s3, s0;
	s1 =	sshll.u32 s1, $0x11  }
0xbf: {  	s0 =	sor.u32 s1, s0  }
0xc0: {  	s0 =	sadd.s32 $0x8F2B, s0  }
0xc1: {  	[sflag:s0] =	ssyncadd.remote.s32 $0x1  }
0xc2: {  	_ =	sfence.sel $0xFFFF  }
0xc3: {  	[dreg:$0x0] =	wrdreg $0xFFFFFFFF;
	(pc) =	sbr.abs _section_cstart, $3  }
0xc4: {  	[dreg:$0x1] =	wrdreg $0xFFFFFFFF  }
0xc5: {  	_ =	task.clear_ibuf [dreg:s8], $0x2FFFF;
	_ =	strace $0x9FFFFFFF  }
0xc6: {  	(tm) =	ssettm $0x7FFFFFFF  }
0xc7: {  	_ =	shalt  }
tec
execute0_lowered:
.L_overlay_start_1:
0x0: {  	(tag) =	ssettag $0x1  }
0x1: {  	s1 =	rddreg [dreg:$0x0]  }
0x2: {  	s0 =	rddreg [dreg:$0x1]  }
0x3: {  	s4 =	rddreg [dreg:$0x2]  }
0x4: {  	s2 =	rddreg [dreg:$0x3]  }
0x5: {  	s3 =	rddreg [dreg:$0x4];
	s5 =	simm.s32 $0x0;
	s6 =	srdreg.scid  }
0x6: {  	s14 =	stileid.u32;
	s28 =	simm.s32 $0x1;
	s29 =	simm.s32 $0x50  }
0x7: {  	[smem:$0x7FF] =	sst s5;
	s8 =	sand.u32 $0x1, s6;
	s9 =	smul.u32 $0x13880, s14  }
0x8: {  	s6 =	sadd.s32 $0xC400, s0;
	s7 =	sadd.s32 $0x2600, s0;
	s11 =	sadd.s32 $0x16A00, s0  }
0x9: {  	s21 =	sshll.u32 s14, $0x1;
	s12 =	sadd.s32 $0x16400, s0;
	s23 =	sadd.s32 $0x16200, s0  }
0xa: {  	s18 =	smul.u32 $0x2710, s14;
	_ =	strace $0x80000047;
	[dreg:$0x6] =	wrdreg s11  }
0xb: {  	s31 =	sshll.u32 s14, $0x6;
	s10 =	smul.u32 $0x138800, s8;
	[dreg:$0x7] =	wrdreg s12  }
0xc: {  	s11 =	sor.u32 s8, s21;
	s13 =	ssub.s32 $0x2, s8;
	s8 =	smul.u32 $0x27100, s8  }
0xd: {  	[dreg:$0x8] =	wrdreg s23;
	s17 =	sor.u32 $0x1C0C, s31;
	s24 =	sshrl.u32 s13, $0x1  }
0xe: {  	s16 =	sadd.s32 s9, s2;
	s10 =	sadd.s32 s9, s10;
	s8 =	sadd.s32 s18, s8  }
0xf: {  	s18 =	sadd.s32 s18, s3;
	s22 =	sshrl.u32 s10, $0x3;
	s10 =	smul.u32 $0x2710, s11  }
0x10: {  	s11 =	ssub.s32 s13, s24;
	s8 =	sshrl.u32 s8, $0x3;
	s0 =	sadd.s32 s22, s0  }
0x11: {  	s20 =	sadd.s32 s4, s8;
	s21 =	smax.u32 s11, $0x1;
	s4 =	simm.s32 $0xA  }
.Ltmp0:
0x12: {  	s22 =	simm.s32 $0x0;
	s25 =	sshrl.u32 s10, $0x3;
	(pc) =	sbr.rel .LBB2_1-.Ltmp0, $4  }
0x13: {  	s19 =	sadd.s32 $0x19200, s0;
	s0 =	simm.s32 $0x7;
	s26 =	sadd.s32 s6, s25  }
0x14: {  	s15 =	sadd.s32 $0xFA, s25;
	s12 =	sadd.s32 s7, s25;
	[dreg:$0x9] =	wrdreg s26  }
0x15: {  	s25 =	simm.s32 $0xC;
	[dreg:$0xa] =	wrdreg s12;
	s30 =	sadd.s32 s6, s15  }
0x16: {  	s15 =	sadd.s32 s7, s15;
	s26 =	simm.s32 $0x9740;
	[dreg:$0xb] =	wrdreg s30  }
.LBB2_10:
0x17: {  	_ =	swait.ge [sflag:s0], $0x2800  }
0x18: {  	[sflag:s0] =	ssyncset.done $0x0  }
0x19: {  	[sflag:s0] =	ssyncadd.s32 $0xFFFFD800  }
0x1a: {  	_ =	swait.ge [sflag:s4], $0x500  }
0x1b: {  	[sflag:s4] =	ssyncset.done $0x0  }
0x1c: {  	[sflag:s4] =	ssyncadd.s32 $0xFFFFFB00  }
0x1d: {  	[bflag:$0x0] =	sbarrier.arrive $0xFFFF  }
0x1e: {  	[hbm:s19], [sflag:s17] =	dma.local [spmem:s23], $0x2710  }
0x1f: {  	s22 =	sadd.s32 $0x1, s22;
	_ =	swait.ge [sflag:s25], $0x2710  }
0x20: {  	p0 =	sne.s32 s22, s21;
	[sflag:s25] =	ssyncset.done $0x0  }
.Ltmp1:
0x21: {  	[sflag:s25] =	ssyncadd.s32 $0xFFFFD8F0;
	(pc) =	sbr.rel @!p0 .LBB2_11-.Ltmp1, $4  }
0x22: {  	[hbm:s20], [sflag:s17] =	dma.local [spmem:s24], $0x4E2  }
0x23: {  	_ =	swait.ge [sflag:s25], $0x4E2  }
0x24: {  	[sflag:s25] =	ssyncset.done $0x0  }
0x25: {  	[sflag:s25] =	ssyncadd.s32 $0xFFFFFB1E  }
.LBB2_1:
0x26: {  	s8 =	rddreg [dreg:$0x9]  }
0x27: {  	[tilespmem:s5], [sflag:$0x1] =	stream.linear.gather [hbm4b:s8+s5], $0x7D0, $0x38;
	[tilespmem:$0x1FBD0] =	vst v63  }
0x28: {  	s23 =	rddreg [dreg:$0xa];
	s9 =	simm.s32 $0xFA0  }
0x29: {  	[tilespmem:s9], [sflag:$0x1] =	stream.linear.gather [hbm4b:s23+s5], $0x7D0, $0x38;
	[tilespmem:$0x1FBD0] =	vst v63  }
0x2a: {  	s24 =	rddreg [dreg:$0xb];
	s31 =	simm.s32 $0x7D0  }
0x2b: {  	[tilespmem:s31], [sflag:$0x2] =	stream.linear.gather [hbm4b:s24+s5], $0x7D0, $0x38;
	[tilespmem:$0x1FBD0] =	vst v63  }
0x2c: {  	s11 =	rddreg [dreg:$0x6];
	s9 =	simm.s32 $0x1770;
	s23 =	sshrl.u32 s16, $0x3  }
0x2d: {  	[tilespmem:s9], [sflag:$0x2] =	stream.linear.gather [hbm4b:s15+s5], $0x7D0, $0x38;
	[tilespmem:$0x1FBD0] =	vst v63  }
0x2e: {  	[spmem:s23], [sflag:s17] =	dma.local [hbm:s11], $0x2710  }
0x2f: {  	_ =	swait.ge [sflag:s25], $0x2710  }
0x30: {  	[sflag:s25] =	ssyncset.done $0x0  }
0x31: {  	s24 =	sshrl.u32 s18, $0x3;
	s12 =	rddreg [dreg:$0x7];
	[sflag:s25] =	ssyncadd.s32 $0xFFFFD8F0  }
0x32: {  	[spmem:s24], [sflag:s17] =	dma.local [hbm:s12], $0x4E2  }
0x33: {  	_ =	swait.ge [sflag:s25], $0x4E2  }
0x34: {  	[sflag:s25] =	ssyncset.done $0x0  }
0x35: {  	s13 =	rddreg [dreg:$0x8];
	[sflag:s25] =	ssyncadd.s32 $0xFFFFFB1E  }
0x36: {  	[tilespmem:s26], [sflag:$0xC] =	stream.linear.gather [hbm4b:s13+s5], $0x500, $0x38;
	[tilespmem:$0x1FBD0] =	vst v63  }
0x37: {  	_ =	swait.ge [sflag:s25], $0x500  }
0x38: {  	[sflag:s25] =	ssyncset.done $0x0  }
0x39: {  	[sflag:s25] =	ssyncadd.s32 $0xFFFFFB00  }
0x3a: {  	_ =	swait.ge [sflag:s28], $0x7D0  }
0x3b: {  	[sflag:s28] =	ssyncset.done $0x0  }
0x3c: {  	[sflag:s28] =	ssyncadd.s32 $0xFFFFF830  }
0x3d: {  	_ =	swait.ge [sflag:s28], $0x7D0  }
0x3e: {  	[sflag:s28] =	ssyncset.done $0x0  }
0x3f: {  	s14 =	simm.s32 $0x1F40;
	[sflag:s28] =	ssyncadd.s32 $0xFFFFF830  }
0x40: {  	[tilespmem:s14], [sflag:$0x3] =	stream.indirect.gather [hbm4b:s1+s29], $0x80, s5, s29, $0xb8;
	[tilespmem:$0x1FBD0] =	vst v63  }
.Ltmp2:
0x41: {  	_ = 	snop;
	(pc) =	sbr.rel .LBB2_2-.Ltmp2, $4  }
0x42: {  	s31 =	simm.s32 $0x4740  }
0x43: {  	[tilespmem:s31], [sflag:$0x4] =	stream.indirect.gather [hbm4b:s1+s29], $0x80, s29, s29, $0xb8;
	[tilespmem:$0x1FBD0] =	vst v63  }
0x44: {  	[bflag:$0x0] =	sbarrier.arrive $0xFFFF  }
0x45: {  	s30 =	simm.s32 $0x0  }
.LBB2_3:
0x46: {  	s9 =	simm.s32 $0x2;
	s11 =	simm.s32 $0x2  }
.LBB2_8:
0x47: {  	s12 =	smul.u32 $0xAB, s9;
	_ =	sdelay $0x1  }
0x48: {  	s12 =	sshrl.u32 s12, $0x9  }
0x49: {  	s12 =	sand.u32 $0x7F, s12  }
0x4a: {  	s12 =	smul.u32 $0x3, s12  }
0x4b: {  	s14 =	sadd.s32 $0xFFFFFFE6, s30;
	s11 =	smul.u32 $0x140, s11  }
0x4c: {  	p0 =	sgt.u32 s14, $0x49;
	s12 =	ssub.s32 s9, s12;
	s9 =	smul.u32 $0x29, s9  }
0x4d: {  	s8 =	sand.u32 @!p0 $0xFF, s8;
	s14 =	sshrl.u32 s11, $0x2  }
0x4e: {  	p1 =	sne.s32 @!p0 s8, $0x1;
	s12 =	sand.u32 $0xFF, s12;
	s9 =	sshrl.u32 s9, $0xA  }
0x4f: {  	p0 =	por p1, p0;
	s13 =	smul.u32 $0xA000, s12;
	s9 =	sand.u32 $0x1, s9  }
0x50: {  	s8 =	simm.s32 $0x7D0;
	s11 =	sadd.s32 @!p0 $0x1, s31;
	p1 =	seq.s32 s9, $0x1  }
0x51: {  	s31 =	sadd.s32 $0x3, s12;
	s13 =	sshrl.u32 s13, $0x2;
	s8 =	simm.s32 @!p1 $0x0  }
0x52: {  	s12 =	smul.u32 @!p0 $0x7D0, s11;
	s13 =	sadd.s32 $0x1F40, s13;
	s8 =	sadd.s32 s14, s8  }
0x53: {  	[tilespmem:s13], [sflag:s31] =	stream.indirect.gather [hbm4b:s1+s29], $0x80, s8, s29, $0xb8;
	[tilespmem:$0x1FBD0] =	vst v63  }
0x54: {  	s9 =	sadd.s32 @!p0 s10, s12;
	s8 =	sand.u32 @!p0 $0x1, s11  }
0x55: {  	s9 =	sshrl.u32 @!p0 s9, $0x3;
	s11 =	smul.u32 @!p0 $0x7D0, s8  }
0x56: {  	s12 =	sadd.s32 @!p0 s6, s9;
	s13 =	simm.s32 @!p0 $0x0;
	s8 =	sadd.s32 @!p0 $0x1, s8  }
0x57: {  	[tilespmem:s11], [sflag:s8] =	stream.linear.gather @!p0 [hbm4b:s12+s13], $0x7D0, $0x38;
	[tilespmem:$0x1FBD0] =	vst v63  }
0x58: {  	s9 =	sadd.s32 @!p0 s7, s9;
	s11 =	sadd.s32 @!p0 $0xFA0, s11  }
0x59: {  	[tilespmem:s11], [sflag:s8] =	stream.linear.gather @!p0 [hbm4b:s9+s13], $0x7D0, $0x38;
	[tilespmem:$0x1FBD0] =	vst v63  }
.LBB2_9:
0x5a: {  	s30 =	sadd.s32 $0x1, s30  }
0x5b: {  	p0 =	sne.s32 s30, $0x7D  }
.Ltmp3:
0x5c: {  	_ = 	snop;
	(pc) =	sbr.rel @!p0 .LBB2_10-.Ltmp3, $1  }
0x5d: {  	_ =	sdelay $0x3  }
.LBB2_2:
0x5e: {  	s8 =	smul.u32 $0xAB, s30  }
0x5f: {  	s9 =	smul.u32 $0x29, s30  }
0x60: {  	s8 =	sshrl.u32 s8, $0x9  }
0x61: {  	s9 =	sshrl.u32 s9, $0xA;
	s8 =	sand.u32 $0x7F, s8  }
0x62: {  	s31 =	sand.u32 $0x3F, s9;
	s8 =	smul.u32 $0x3, s8  }
0x63: {  	s11 =	smul.u32 $0x19, s31  }
0x64: {  	s8 =	ssub.s32 s30, s8  }
0x65: {  	s9 =	sand.u32 $0x1, s9;
	s12 =	sand.u32 $0xFF, s8;
	s8 =	ssub.s32 s30, s11  }
0x66: {  	p0 =	seq.s32 s9, $0x1;
	s11 =	smul.u32 $0xA000, s12;
	s13 =	sand.u32 $0xFF, s8  }
0x67: {  	s9 =	simm.s32 $0x7D0;
	s14 =	sadd.s32 $0x3, s12;
	s13 =	smul.u32 $0x140, s13  }
0x68: {  	s9 =	simm.s32 @!p0 $0x0;
	p0 =	seq.s32 s30, $0x0;
	_ =	swait.ge [sflag:s14], $0x2800  }
0x69: {  	s11 =	sshrl.u32 s11, $0x2;
	[sflag:s14] =	ssyncset.done $0x0;
	s13 =	sshrl.u32 s13, $0x2  }
.Ltmp4:
0x6a: {  	s11 =	sadd.s32 $0x1F40, s11;
	s9 =	sadd.s32 s13, s9;
	(pc) =	sbr.rel @p0 .LBB2_3-.Ltmp4, $4  }
0x6b: {  	[sflag:s14] =	ssyncadd.s32 $0xFFFFD800;
	s14 =	sadd.s32 $0x6, s12;
	s9 =	sadd.s32 $0xFA0, s9  }
0x6c: {  	[spmem:s2] =	stream.indirect.scatter.add.f32 [tilespmem:s11], [sflag:s14], $0x80, s9, s29, $0xb8;
	[tilespmem:$0x1FBD0] =	vst v63  }
0x6d: {  	s14 =	sadd.s32 $0x9, s12  }
0x6e: {  	[spmem:s3] =	stream.indirect.scatter.add.f32 [tilespmem:s26], [sflag:s14], $0x10, s9, s29, $0xb8;
	[tilespmem:$0x1FBD0] =	vst v63  }
0x6f: {  	s11 =	sadd.s32 $0xFFFFFFFF, s30  }
0x70: {  	s9 =	sand.u32 $0xFF, s11  }
0x71: {  	s9 =	smul.u32 $0xAB, s9;
	_ =	sdelay $0x1  }
0x72: {  	s9 =	sshrl.u32 s9, $0x9  }
0x73: {  	s12 =	smul.u32 $0x3, s9;
	s9 =	sadd.s32 $0x2, s30  }
0x74: {  	s13 =	smul.u32 $0x29, s9;
	_ =	sdelay $0x1  }
0x75: {  	s12 =	ssub.s32 s11, s12;
	s11 =	sshrl.u32 s13, $0xA  }
0x76: {  	s13 =	sand.u32 $0xFF, s12;
	s12 =	sand.u32 $0x3F, s11  }
0x77: {  	s14 =	sadd.s32 $0x6, s13;
	s12 =	smul.u32 $0x19, s12  }
0x78: {  	_ =	swait.ge [sflag:s14], $0x2800  }
0x79: {  	p0 =	sgt.u32 s30, $0x7A;
	[sflag:s14] =	ssyncset.done $0x0;
	s12 =	ssub.s32 s9, s12  }
0x7a: {  	[sflag:s14] =	ssyncadd.s32 $0xFFFFD800;
	s14 =	sand.u32 @!p0 $0xFF, s12  }
0x7b: {  	p1 =	sne.s32 @!p0 s14, $0x0  }
0x7c: {  	p1 =	por p0, p1  }
.Ltmp5:
0x7d: {  	_ = 	snop;
	(pc) =	sbr.rel @p1 .LBB2_6-.Ltmp5, $4  }
0x7e: {  	s13 =	sadd.s32 $0x9, s13  }
0x7f: {  	_ =	swait.ge [sflag:s13], $0x500  }
0x80: {  	[sflag:s13] =	ssyncset.done $0x0  }
0x81: {  	[sflag:s13] =	ssyncadd.s32 $0xFFFFFB00  }
0x82: {  	s11 =	sand.u32 $0x1, s11  }
0x83: {  	s11 =	sadd.s32 $0x1, s11  }
0x84: {  	_ =	swait.ge [sflag:s11], $0x7D0  }
.Ltmp6:
0x85: {  	[sflag:s11] =	ssyncset.done $0x0;
	(pc) =	sbr.rel .LBB2_8-.Ltmp6, $4  }
0x86: {  	[sflag:s11] =	ssyncadd.s32 $0xFFFFF830  }
0x87: {  	_ =	swait.ge [sflag:s11], $0x7D0  }
0x88: {  	[sflag:s11] =	ssyncset.done $0x0  }
0x89: {  	[sflag:s11] =	ssyncadd.s32 $0xFFFFF830;
	s11 =	simm.s32 $0x0  }
.LBB2_6:
.Ltmp7:
0x8a: {  	(pc) =	sbr.rel @p0 .LBB2_9-.Ltmp7, $1  }
0x8b: {  	_ =	sdelay $0x3  }
.Ltmp8:
0x8c: {  	(pc) =	sbr.rel .LBB2_8-.Ltmp8, $2  }
0x8d: {  	_ =	sdelay $0x2  }
0x8e: {  	s11 =	sand.u32 $0xFF, s12  }
.LBB2_11:
0x8f: {  	_ =	sfence.sel $0x180000  }
0x90: {  	[bflag:$0x0] =	sbarrier.arrive $0xFFFF  }
0x91: {  	_ =	strace $0x90000047  }
0x92: {  	s0 =	stileid.u32;
	[bflag:$0x2] =	sbarrier.arrive $0xFFFF  }
0x93: {  	p0 =	sne.s32 s0, $0x0;
	s0 =	rddreg [dreg:$0x5]  }
0x94: {  	s0 =	sadd.s32 @!p0 $0x100000, s0  }
0x95: {  	[sflag:s0] =	ssyncadd.tile.s32 @!p0 $0x1;
	_ =	shalt  }
.Lfunc_end2:
_tile_overlayer_lowered:
.L_overlay_start_2:
0x96: {  	(tag) =	ssettag $0x2  }
0x97: {  	s0 =	rddreg [dreg:$0x0];
	s2 =	stileid.u32  }
0x98: {  	s1 =	rddreg [dreg:$0x1];
	p0 =	sne.s32 s2, $0x0  }
0x99: {  	s3 =	rddreg [dreg:$0x2];
	[bflag:$0x3] =	sbarrier.arrive $0xFFFF;
	s2 =	simm.s32 @!p0 $0x1C0C  }
0x9a: {  	[timem:s3], [sflag:s2] =	dma.local @!p0 [hbm:s0], s1  }
0x9b: {  	s0 =	simm.s32 @!p0 $0xC  }
0x9c: {  	_ =	swait.ge @!p0 [sflag:s0], s1  }
0x9d: {  	s1 =	ssub.s32 @!p0 $0x0, s1;
	[sflag:s0] =	ssyncset.done @!p0 $0x0  }
0x9e: {  	[sflag:s0] =	ssyncadd.s32 @!p0 s1  }
0x9f: {  	[bflag:$0x3] =	sbarrier.arrive $0xFFFF  }
0xa0: {  	_ =	shalt  }

// kernel: kernel.9.cloned.1.call-start
scs
__scs_entry_jumppad:
0x0: {  	(pc) =	sbr.rel $0x88, $3  }
0x1: {  	(tag) =	ssettag $0x0;
	lr =	simm.s32 $0x1  }
0x2: {  	[smem:$0x3F99] =	sst lr;
	_ =	strace $0xD0000000  }
0x3: {  	_ = 	snop  }
0x4: {  	_ = 	snop  }
0x5: {  	_ = 	snop  }
0x6: {  	_ = 	snop  }
0x7: {  	_ = 	snop  }
__scs_overlays_trampoline_lowered:
0x8: {  	[smem:$0x3FA8] =	sst s0  }
0x9: {  	[smem:$0x3FA9] =	sst s1  }
0xa: {  	[smem:$0x3FAA] =	sst s2  }
0xb: {  	[smem:$0x3FAB] =	sst s3  }
0xc: {  	[smem:$0x3FAC] =	sst s4  }
0xd: {  	[smem:$0x3FAD] =	sst s5  }
0xe: {  	[smem:$0x3FAE] =	sst s6  }
0xf: {  	[smem:$0x3FAF] =	sst s7  }
0x10: {  	[smem:$0x3FB0] =	sst s8  }
0x11: {  	[smem:$0x3FB1] =	sst s9;
	s0 =	simm.s32 @!p0 $0x0  }
0x12: {  	s1 =	sld [smem:$0x3F97];
	s0 =	simm.s32 @p0 $0x1  }
0x13: {  	[smem:$0x3FB2] =	sst s0;
	s0 =	simm.s32 @!p1 $0x0  }
0x14: {  	s2 =	sld [smem:$0x3F96];
	s0 =	simm.s32 @p1 $0x1  }
0x15: {  	[smem:$0x3FB3] =	sst s0;
	s0 =	simm.s32 @!p2 $0x0  }
0x16: {  	s3 =	sld [smem:$0x3FDB];
	s0 =	simm.s32 @p2 $0x1  }
0x17: {  	s4 =	simm.s32 $0x1BF5;
	[smem:$0x3FB5] =	sst s0  }
0x18: {  	s0 =	sld [smem:$0x3F98];
	_ =	swait.ge [sflag:s4], $0x0  }
0x19: {  	s7 =	sld [smem:$0x3F99]  }
0x1a: {  	s8 =	sadd.s32 $0xFFFFE003, lr  }
0x1b: {  	s9 =	sadd.s32 $0xFFFFFEF7, lr;
	s5 =	simm.s32 $0xFFFFFFFF;
	p2 =	slt.u32 s8, $0xFFFFF086  }
0x1c: {  	p1 =	slt.u32 s9, $0xF7A;
	s5 =	simm.s32 @!p2 $0x0  }
0x1d: {  	s5 =	simm.s32 @p1 $0x1;
	p0 =	seq.s32 s7, s2  }
0x1e: {  	s7 =	smul.u32 @!p0 $0xF7A, s2;
	p2 =	seq.s32 @!p0 s5, $0x0  }
0x1f: {  	s9 =	smul.u32 $0xF7A, s1;
	s8 =	simm.s32 @!p0 $0x1BF5;
	p2 =	por !p2, p0  }
0x20: {  	[sflag:s8] =	ssyncset.s32 @!p0 $0xFFFFF086;
	s6 =	sadd.s32 @!p0 s3, s7;
	s7 =	simm.s32 @!p0 $0x108  }
0x21: {  	s3 =	sadd.s32 s3, s9;
	s6 =	sadd.s32 @!p0 $0x88, s6;
	s7 =	simm.s32 @p2 $0x1082  }
0x22: {  	[simem:s7], [sflag:s8] =	dma.local @!p0 [hbm:s6], $0xF7A  }
0x23: {  	s9 =	sor.u32 $0xD0000000, s2;
	s6 =	simm.s32 $0x108;
	_ =	swait.ge @!p0 [sflag:s8], $0x0  }
0x24: {  	s3 =	sadd.s32 $0x88, s3;
	s6 =	simm.s32 @!p1 $0x1082;
	[sflag:s4] =	ssyncset.s32 $0xFFFFF086  }
0x25: {  	[simem:s6], [sflag:s4] =	dma.local [hbm:s3], $0xF7A  }
0x26: {  	[smem:$0x3F99] =	sst s1;
	(tag) =	ssettag s2;
	_ =	strace s9  }
0x27: {  	s1 =	sld [smem:$0x3FA9]  }
0x28: {  	s2 =	sld [smem:$0x3FAA]  }
0x29: {  	s4 =	sld [smem:$0x3FAC]  }
0x2a: {  	p0 =	seq.s32 s5, $0x0;
	s5 =	sld [smem:$0x3FAD]  }
0x2b: {  	s6 =	sld [smem:$0x3FAE]  }
0x2c: {  	s7 =	sld [smem:$0x3FAF]  }
0x2d: {  	s3 =	simm.s32 $0x108;
	s8 =	sld [smem:$0x3FB0]  }
0x2e: {  	s3 =	simm.s32 @!p0 $0x1082;
	s9 =	sld [smem:$0x3FB1]  }
0x2f: {  	lr =	sadd.s32 s0, s3;
	s0 =	sld [smem:$0x3FA8]  }
0x30: {  	s3 =	sld [smem:$0x3FAB]  }
0x31: {  	[smem:$0x3FB4] =	sst s10  }
0x32: {  	s10 =	sld [smem:$0x3FB2];
	_ =	sdelay $0x3  }
0x33: {  	p0 =	seq.s32 s10, $0x1;
	s10 =	sld [smem:$0x3FB4];
	_ =	sdelay $0x3  }
0x34: {  	[smem:$0x3FB4] =	sst s10  }
0x35: {  	s10 =	sld [smem:$0x3FB3];
	_ =	sdelay $0x3  }
0x36: {  	p1 =	seq.s32 s10, $0x1;
	s10 =	sld [smem:$0x3FB4];
	_ =	sdelay $0x3  }
0x37: {  	[smem:$0x3FB4] =	sst s10  }
0x38: {  	s10 =	sld [smem:$0x3FB5]  }
0x39: {  	_ = 	snop;
	(pc) =	sbr.ind lr, $3  }
0x3a: {  	_ = 	snop  }
0x3b: {  	_ = 	snop  }
0x3c: {  	p2 =	seq.s32 s10, $0x1;
	s10 =	sld [smem:$0x3FB4]  }
0x3d: {  	_ =	shalt  }
0x3e: {  	_ =	shalt  }
0x3f: {  	_ =	shalt  }
0x40: {  	_ =	shalt  }
0x41: {  	_ =	shalt  }
0x42: {  	_ =	shalt  }
0x43: {  	_ =	shalt  }
0x44: {  	_ =	shalt  }
0x45: {  	_ =	shalt  }
0x46: {  	_ =	shalt  }
0x47: {  	_ =	shalt  }
0x48: {  	_ =	shalt  }
0x49: {  	_ =	shalt  }
0x4a: {  	_ =	shalt  }
0x4b: {  	_ =	shalt  }
0x4c: {  	_ =	shalt  }
0x4d: {  	_ =	shalt  }
0x4e: {  	_ =	shalt  }
0x4f: {  	_ =	shalt  }
0x50: {  	_ =	shalt  }
0x51: {  	_ =	shalt  }
0x52: {  	_ =	shalt  }
0x53: {  	_ =	shalt  }
0x54: {  	_ =	shalt  }
0x55: {  	_ =	shalt  }
0x56: {  	_ =	shalt  }
0x57: {  	_ =	shalt  }
0x58: {  	_ =	shalt  }
0x59: {  	_ =	shalt  }
0x5a: {  	_ =	shalt  }
0x5b: {  	_ =	shalt  }
0x5c: {  	_ =	shalt  }
0x5d: {  	_ =	shalt  }
0x5e: {  	_ =	shalt  }
0x5f: {  	_ =	shalt  }
0x60: {  	_ =	shalt  }
0x61: {  	_ =	shalt  }
0x62: {  	_ =	shalt  }
0x63: {  	_ =	shalt  }
0x64: {  	_ =	shalt  }
0x65: {  	_ =	shalt  }
0x66: {  	_ =	shalt  }
0x67: {  	_ =	shalt  }
0x68: {  	_ =	shalt  }
0x69: {  	_ =	shalt  }
0x6a: {  	_ =	shalt  }
0x6b: {  	_ =	shalt  }
0x6c: {  	_ =	shalt  }
0x6d: {  	_ =	shalt  }
0x6e: {  	_ =	shalt  }
0x6f: {  	_ =	shalt  }
0x70: {  	_ =	shalt  }
0x71: {  	_ =	shalt  }
0x72: {  	_ =	shalt  }
0x73: {  	_ =	shalt  }
0x74: {  	_ =	shalt  }
0x75: {  	_ =	shalt  }
0x76: {  	_ =	shalt  }
0x77: {  	_ =	shalt  }
0x78: {  	_ =	shalt  }
0x79: {  	_ =	shalt  }
0x7a: {  	_ =	shalt  }
0x7b: {  	_ =	shalt  }
0x7c: {  	_ =	shalt  }
0x7d: {  	_ =	shalt  }
0x7e: {  	_ =	shalt  }
0x7f: {  	_ =	shalt  }
0x80: {  	_ =	shalt  }
0x81: {  	_ =	shalt  }
0x82: {  	_ =	shalt  }
0x83: {  	_ =	shalt  }
0x84: {  	_ =	shalt  }
0x85: {  	_ =	shalt  }
0x86: {  	_ =	shalt  }
0x87: {  	_ =	shalt  }
.Lfunc_end0:
.L_simem_size_0:
called_computation.1_lowered:
.L_overlay_start_0:
0x88: {  	s2 =	sld [smem:$0x3FD9]  }
0x89: {  	s3 =	sld [smem:$0x3FFE];
	_ =	sdelay $0x1  }
0x8a: {  	s1 =	srdreg.scid  }
0x8b: {  	s0 =	sand.u32 $0x1, s1  }
0x8c: {  	s17 =	sshll.u32 s0, $0xA;
	s2 =	sadd.s32 s3, s2  }
0x8d: {  	s2 =	sadd.s32 s2, s17  }
0x8e: {  	[smem:$0x3FC0] =	sst s2  }
0x8f: {  	_ = 	snop  }
0x90: {  	s2 =	sld [smem:$0x3FD0];
	(tm) =	ssettm $0x1  }
0x91: {  	s18 =	sld [smem:$0x3FFB];
	_ =	sdelay $0x3  }
0x92: {  	_ =	strace s18  }
0x93: {  	s3 =	sld [smem:$0x3FFC];
	_ =	sdelay $0x3  }
0x94: {  	_ =	strace s3  }
0x95: {  	s3 =	sld [smem:$0x3FFD];
	_ =	sdelay $0x3  }
0x96: {  	_ =	strace s3  }
0x97: {  	_ =	strace $0x8FFFFFFF  }
0x98: {  	s19 =	sld [smem:$0x3FDB];
	_ =	sdelay $0x1  }
0x99: {  	s4 =	simm.s32 $_scs_section_size  }
0x9a: {  	s5 =	simm.s32 $_size__tile_overlayer_lowered;
	s6 =	simm.s32 $_tile_overlayer_lowered  }
0x9b: {  	s22 =	simm.s32 $0x1BFF;
	s21 =	sshll.u32 s6, $0x1;
	s3 =	sadd.s32 s4, s19  }
0x9c: {  	s7 =	simm.s32 $0x0;
	s20 =	sshll.u32 s5, $0x1;
	s5 =	sadd.s32 s21, s3  }
0x9d: {  	[timem:s7], [sflag:s22] =	dma.local [hbm:s5], s20  }
0x9e: {  	_ =	swait.ge [sflag:s22], s20  }
0x9f: {  	s4 =	ssub.s32 $0x0, s20;
	[sflag:s22] =	ssyncset.done $0x0  }
0xa0: {  	[sflag:s22] =	ssyncadd.s32 s4;
	_ =	sdelay $0x1  }
0xa1: {  	s23 =	simm.s32 $0x1B8B  }
0xa2: {  	_ =	swait.ge [sflag:s23], $0x1  }
0xa3: {  	[sflag:s23] =	ssyncset.done $0x0  }
0xa4: {  	s25 =	simm.s32 $0x1B8E;
	s24 =	sld [smem:$0x3FFE];
	[sflag:s23] =	ssyncadd.s32 $0xFFFFFFFF  }
0xa5: {  	s26 =	simm.s32 $execute0_lowered;
	[smem:$0x3FD2] =	sst s25  }
0xa6: {  	s5 =	sshll.u32 s26, $0x1;
	_ =	strace $0x80000049;
	[dreg:$0x1] =	wrdreg $0xFFFFFFFF  }
0xa7: {  	s28 =	simm.s32 $_size_execute0_lowered;
	s3 =	sadd.s32 s3, s5;
	[dreg:$0x0] =	wrdreg $0x0  }
0xa8: {  	s5 =	sshll.u32 s28, $0x1;
	[dreg:$0x2] =	wrdreg s3  }
0xa9: {  	[dreg:$0x3] =	wrdreg s5  }
0xaa: {  	[dreg:$0x4] =	wrdreg $0xC0  }
0xab: {  	_ =	task [dreg:s7], $0x5FFFF  }
0xac: {  	[dreg:$0x1] =	wrdreg $0xFFFFFFFF  }
0xad: {  	[dreg:$0x0] =	wrdreg $0x60  }
0xae: {  	[dreg:$0x2] =	wrdreg s2  }
0xaf: {  	[dreg:$0x3] =	wrdreg s24  }
0xb0: {  	[dreg:$0x4] =	wrdreg $0x97400  }
0xb1: {  	[dreg:$0x5] =	wrdreg $0x9  }
0xb2: {  	_ =	task.clear_ibuf [dreg:s7], $0x6FFFF;
	_ =	strace $0x90000049  }
0xb3: {  	s29 =	simm.s32 $0x9;
	_ =	strace $0x8000004B  }
0xb4: {  	_ =	swait.ge [sflag:s29], $0x1  }
0xb5: {  	[sflag:s29] =	ssyncadd.s32 $0xFFFFFFFF  }
0xb6: {  	_ =	strace $0x9000004B  }
0xb7: {  	_ =	sfence  }
0xb8: {  	s30 =	sld [smem:$0x0];
	_ =	sdelay $0x2  }
0xb9: {  	s31 =	sshll.u32 s1, $0xD;
	s1 =	sshrl.u32 s1, $0x2  }
0xba: {  	s3 =	sand.u32 $0x4000, s31;
	s1 =	sadd.s32 s1, s30  }
0xbb: {  	s0 =	sor.u32 s3, s0;
	s1 =	sshll.u32 s1, $0x11  }
0xbc: {  	s0 =	sor.u32 s1, s0  }
0xbd: {  	s0 =	sadd.s32 $0x8F2B, s0  }
0xbe: {  	[sflag:s0] =	ssyncadd.remote.s32 $0x1  }
0xbf: {  	_ =	sfence.sel $0xFFFF  }
0xc0: {  	[dreg:$0x0] =	wrdreg $0xFFFFFFFF;
	(pc) =	sbr.abs _section_cstart, $3  }
0xc1: {  	[dreg:$0x1] =	wrdreg $0xFFFFFFFF  }
0xc2: {  	_ =	task.clear_ibuf [dreg:s7], $0x2FFFF;
	_ =	strace $0x9FFFFFFF  }
0xc3: {  	(tm) =	ssettm $0x7FFFFFFF  }
tec
execute0_lowered:
.L_overlay_start_1:
0x0: {  	(tag) =	ssettag $0x1  }
0x1: {  	s1 =	rddreg [dreg:$0x0]  }
0x2: {  	s0 =	rddreg [dreg:$0x1]  }
0x3: {  	s3 =	rddreg [dreg:$0x2];
	s4 =	simm.s32 $0x0;
	s2 =	srdreg.scid  }
0x4: {  	s14 =	stileid.u32;
	s18 =	simm.s32 $0x1770;
	s20 =	simm.s32 $0x9  }
0x5: {  	s21 =	simm.s32 $0x1;
	s22 =	simm.s32 $0x50;
	s23 =	simm.s32 $0x1F40  }
0x6: {  	s24 =	simm.s32 $0x4740;
	s25 =	simm.s32 $0x7;
	s26 =	simm.s32 $0x0  }
0x7: {  	[smem:$0x7FF] =	sst s4;
	s2 =	sand.u32 $0x1, s2;
	s13 =	smul.u32 $0x13880, s14  }
0x8: {  	s8 =	sshll.u32 s14, $0x1;
	s5 =	sadd.s32 $0xC400, s0;
	s6 =	sadd.s32 $0x2600, s0  }
0x9: {  	s7 =	smul.u32 $0x138800, s2;
	s8 =	sor.u32 s2, s8;
	s2 =	ssub.s32 $0x2, s2  }
0xa: {  	s14 =	sshll.u32 s14, $0x6;
	_ =	strace $0x8000004A;
	s10 =	sshrl.u32 s2, $0x1  }
0xb: {  	s19 =	sadd.s32 s13, s3;
	s9 =	sadd.s32 s13, s7;
	s7 =	smul.u32 $0x2710, s8  }
.Ltmp0:
0xc: {  	s8 =	sadd.s32 $0x16A00, s0;
	s2 =	ssub.s32 s2, s10;
	(pc) =	sbr.rel .LBB2_1-.Ltmp0, $4  }
0xd: {  	s13 =	sor.u32 $0x1C09, s14;
	s19 =	sshrl.u32 s19, $0x3;
	s9 =	sshrl.u32 s9, $0x3  }
0xe: {  	s15 =	smax.u32 s2, $0x1;
	s0 =	sadd.s32 s9, s0;
	s11 =	sshrl.u32 s7, $0x3  }
0xf: {  	s9 =	sadd.s32 s5, s11;
	s10 =	sadd.s32 s6, s11;
	s12 =	sadd.s32 $0xFA, s11  }
0x10: {  	s14 =	sadd.s32 $0x19200, s0;
	s11 =	sadd.s32 s5, s12;
	s12 =	sadd.s32 s6, s12  }
.LBB2_10:
0x11: {  	_ =	swait.ge [sflag:s25], $0x2800  }
0x12: {  	s26 =	sadd.s32 $0x1, s26;
	[sflag:s25] =	ssyncset.done $0x0  }
0x13: {  	p0 =	sne.s32 s26, s15;
	[sflag:s25] =	ssyncadd.s32 $0xFFFFD800  }
.Ltmp1:
0x14: {  	[bflag:$0x0] =	sbarrier.arrive $0xFFFF;
	(pc) =	sbr.rel @!p0 .LBB2_11-.Ltmp1, $4  }
0x15: {  	[hbm:s14], [sflag:s13] =	dma.local [spmem:s19], $0x2710  }
0x16: {  	_ =	swait.ge [sflag:s20], $0x2710  }
0x17: {  	[sflag:s20] =	ssyncset.done $0x0  }
0x18: {  	[sflag:s20] =	ssyncadd.s32 $0xFFFFD8F0  }
.LBB2_1:
0x19: {  	[tilespmem:s4], [sflag:$0x1] =	stream.linear.gather [hbm4b:s9+s4], $0x7D0, $0x38;
	[tilespmem:$0x1CFC0] =	vst v63  }
0x1a: {  	s0 =	simm.s32 $0xFA0  }
0x1b: {  	[tilespmem:s0], [sflag:$0x1] =	stream.linear.gather [hbm4b:s10+s4], $0x7D0, $0x38;
	[tilespmem:$0x1CFC0] =	vst v63  }
0x1c: {  	s31 =	simm.s32 $0x7D0  }
0x1d: {  	[tilespmem:s31], [sflag:$0x2] =	stream.linear.gather [hbm4b:s11+s4], $0x7D0, $0x38;
	[tilespmem:$0x1CFC0] =	vst v63  }
0x1e: {  	_ = 	snop  }
0x1f: {  	[tilespmem:s18], [sflag:$0x2] =	stream.linear.gather [hbm4b:s12+s4], $0x7D0, $0x38;
	[tilespmem:$0x1CFC0] =	vst v63  }
0x20: {  	[spmem:s19], [sflag:s13] =	dma.local [hbm:s8], $0x2710  }
0x21: {  	_ =	swait.ge [sflag:s20], $0x2710  }
0x22: {  	[sflag:s20] =	ssyncset.done $0x0  }
0x23: {  	[sflag:s20] =	ssyncadd.s32 $0xFFFFD8F0  }
0x24: {  	_ =	swait.ge [sflag:s21], $0x7D0  }
0x25: {  	[sflag:s21] =	ssyncset.done $0x0  }
0x26: {  	[sflag:s21] =	ssyncadd.s32 $0xFFFFF830  }
0x27: {  	_ =	swait.ge [sflag:s21], $0x7D0  }
0x28: {  	[sflag:s21] =	ssyncset.done $0x0  }
0x29: {  	[sflag:s21] =	ssyncadd.s32 $0xFFFFF830  }
0x2a: {  	[tilespmem:s23], [sflag:$0x3] =	stream.indirect.gather [hbm4b:s1+s22], $0x80, s4, s22, $0xb8;
	[tilespmem:$0x1CFC0] =	vst v63  }
.Ltmp2:
0x2b: {  	_ = 	snop;
	(pc) =	sbr.rel .LBB2_2-.Ltmp2, $4  }
0x2c: {  	_ = 	snop  }
0x2d: {  	[tilespmem:s24], [sflag:$0x4] =	stream.indirect.gather [hbm4b:s1+s22], $0x80, s22, s22, $0xb8;
	[tilespmem:$0x1CFC0] =	vst v63  }
0x2e: {  	[bflag:$0x0] =	sbarrier.arrive $0xFFFF  }
0x2f: {  	s28 =	simm.s32 $0x0  }
.LBB2_3:
0x30: {  	s31 =	simm.s32 $0x2;
	s0 =	simm.s32 $0x2  }
.LBB2_8:
0x31: {  	s2 =	smul.u32 $0xAB, s31;
	_ =	sdelay $0x1  }
0x32: {  	s2 =	sshrl.u32 s2, $0x9  }
0x33: {  	s17 =	smul.u32 $0x29, s31;
	s2 =	sand.u32 $0x7F, s2  }
0x34: {  	s2 =	smul.u32 $0x3, s2  }
0x35: {  	s0 =	smul.u32 $0x140, s0  }
0x36: {  	s2 =	ssub.s32 s31, s2;
	s31 =	sadd.s32 $0xFFFFFFE6, s28  }
0x37: {  	s17 =	sshrl.u32 s17, $0xA;
	s0 =	sshrl.u32 s0, $0x2;
	p0 =	sgt.u32 s31, $0x49  }
0x38: {  	s17 =	sand.u32 $0x1, s17;
	s2 =	sand.u32 $0xFF, s2;
	s30 =	sand.u32 @!p0 $0xFF, s30  }
0x39: {  	s16 =	smul.u32 $0xA000, s2;
	s2 =	sadd.s32 $0x3, s2;
	p1 =	sne.s32 @!p0 s30, $0x1  }
0x3a: {  	p0 =	por p1, p0;
	p1 =	seq.s32 s17, $0x1;
	s17 =	simm.s32 $0x7D0  }
0x3b: {  	s16 =	sshrl.u32 s16, $0x2;
	s17 =	simm.s32 @!p1 $0x0;
	s29 =	sadd.s32 @!p0 $0x1, s29  }
0x3c: {  	s16 =	sadd.s32 $0x1F40, s16;
	s0 =	sadd.s32 s0, s17;
	s17 =	smul.u32 @!p0 $0x7D0, s29  }
0x3d: {  	[tilespmem:s16], [sflag:s2] =	stream.indirect.gather [hbm4b:s1+s22], $0x80, s0, s22, $0xb8;
	[tilespmem:$0x1CFC0] =	vst v63  }
0x3e: {  	s0 =	sand.u32 @!p0 $0x1, s29;
	s2 =	sadd.s32 @!p0 s7, s17  }
0x3f: {  	s16 =	smul.u32 @!p0 $0x7D0, s0;
	s2 =	sshrl.u32 @!p0 s2, $0x3  }
0x40: {  	s29 =	simm.s32 @!p0 $0x0;
	s0 =	sadd.s32 @!p0 $0x1, s0;
	s17 =	sadd.s32 @!p0 s5, s2  }
0x41: {  	[tilespmem:s16], [sflag:s0] =	stream.linear.gather @!p0 [hbm4b:s17+s29], $0x7D0, $0x38;
	[tilespmem:$0x1CFC0] =	vst v63  }
0x42: {  	s2 =	sadd.s32 @!p0 s6, s2;
	s16 =	sadd.s32 @!p0 $0xFA0, s16  }
0x43: {  	[tilespmem:s16], [sflag:s0] =	stream.linear.gather @!p0 [hbm4b:s2+s29], $0x7D0, $0x38;
	[tilespmem:$0x1CFC0] =	vst v63  }
.LBB2_9:
0x44: {  	s28 =	sadd.s32 $0x1, s28  }
0x45: {  	p0 =	sne.s32 s28, $0x7D  }
.Ltmp3:
0x46: {  	_ = 	snop;
	(pc) =	sbr.rel @!p0 .LBB2_10-.Ltmp3, $1  }
0x47: {  	_ =	sdelay $0x3  }
.LBB2_2:
0x48: {  	s0 =	smul.u32 $0xAB, s28  }
0x49: {  	s2 =	smul.u32 $0x29, s28  }
0x4a: {  	s0 =	sshrl.u32 s0, $0x9  }
0x4b: {  	s2 =	sshrl.u32 s2, $0xA;
	s0 =	sand.u32 $0x7F, s0  }
0x4c: {  	s29 =	sand.u32 $0x3F, s2;
	s0 =	smul.u32 $0x3, s0  }
0x4d: {  	s30 =	smul.u32 $0x19, s29  }
0x4e: {  	s2 =	sand.u32 $0x1, s2;
	s0 =	ssub.s32 s28, s0  }
0x4f: {  	p0 =	seq.s32 s2, $0x1;
	s30 =	ssub.s32 s28, s30;
	s0 =	sand.u32 $0xFF, s0  }
0x50: {  	s2 =	simm.s32 $0x7D0;
	s16 =	sand.u32 $0xFF, s30;
	s31 =	smul.u32 $0xA000, s0  }
0x51: {  	s2 =	simm.s32 @!p0 $0x0;
	p0 =	seq.s32 s28, $0x0;
	s16 =	smul.u32 $0x140, s16  }
.Ltmp4:
0x52: {  	s17 =	sadd.s32 $0x3, s0;
	(pc) =	sbr.rel @p0 .LBB2_3-.Ltmp4, $4  }
0x53: {  	s0 =	sadd.s32 $0x6, s0;
	_ =	swait.ge [sflag:s17], $0x2800;
	s16 =	sshrl.u32 s16, $0x2  }
0x54: {  	s31 =	sshrl.u32 s31, $0x2;
	[sflag:s17] =	ssyncset.done $0x0;
	s2 =	sadd.s32 s16, s2  }
0x55: {  	s31 =	sadd.s32 $0x1F40, s31;
	[sflag:s17] =	ssyncadd.s32 $0xFFFFD800;
	s2 =	sadd.s32 $0xFA0, s2  }
0x56: {  	[spmem:s3] =	stream.indirect.scatter.add.f32 [tilespmem:s31], [sflag:s0], $0x80, s2, s22, $0xb8;
	[tilespmem:$0x1CFC0] =	vst v63  }
0x57: {  	s2 =	sadd.s32 $0xFFFFFFFF, s28;
	s31 =	sadd.s32 $0x2, s28  }
0x58: {  	s0 =	sand.u32 $0xFF, s2;
	s16 =	smul.u32 $0x29, s31  }
0x59: {  	s0 =	smul.u32 $0xAB, s0;
	_ =	sdelay $0x1  }
0x5a: {  	s17 =	sshrl.u32 s0, $0x9;
	s0 =	sshrl.u32 s16, $0xA  }
0x5b: {  	s16 =	smul.u32 $0x3, s17;
	s17 =	sand.u32 $0x3F, s0  }
0x5c: {  	s17 =	smul.u32 $0x19, s17  }
0x5d: {  	s2 =	ssub.s32 s2, s16  }
0x5e: {  	p0 =	sgt.u32 s28, $0x7A;
	s16 =	sand.u32 $0xFF, s2;
	s2 =	ssub.s32 s31, s17  }
0x5f: {  	s17 =	sand.u32 @!p0 $0xFF, s2  }
0x60: {  	p1 =	sne.s32 @!p0 s17, $0x0  }
0x61: {  	p1 =	por p0, p1  }
.Ltmp5:
0x62: {  	_ = 	snop;
	(pc) =	sbr.rel @p1 .LBB2_6-.Ltmp5, $4  }
0x63: {  	s16 =	sadd.s32 $0x6, s16  }
0x64: {  	_ =	swait.ge [sflag:s16], $0x2800  }
0x65: {  	[sflag:s16] =	ssyncset.done $0x0  }
0x66: {  	[sflag:s16] =	ssyncadd.s32 $0xFFFFD800  }
0x67: {  	s0 =	sand.u32 $0x1, s0  }
0x68: {  	s0 =	sadd.s32 $0x1, s0  }
0x69: {  	_ =	swait.ge [sflag:s0], $0x7D0  }
.Ltmp6:
0x6a: {  	[sflag:s0] =	ssyncset.done $0x0;
	(pc) =	sbr.rel .LBB2_8-.Ltmp6, $4  }
0x6b: {  	[sflag:s0] =	ssyncadd.s32 $0xFFFFF830  }
0x6c: {  	_ =	swait.ge [sflag:s0], $0x7D0  }
0x6d: {  	[sflag:s0] =	ssyncset.done $0x0  }
0x6e: {  	[sflag:s0] =	ssyncadd.s32 $0xFFFFF830;
	s0 =	simm.s32 $0x0  }
.LBB2_6:
.Ltmp7:
0x6f: {  	(pc) =	sbr.rel @p0 .LBB2_9-.Ltmp7, $1  }
0x70: {  	_ =	sdelay $0x3  }
.Ltmp8:
0x71: {  	(pc) =	sbr.rel .LBB2_8-.Ltmp8, $2  }
0x72: {  	_ =	sdelay $0x2  }
0x73: {  	s0 =	sand.u32 $0xFF, s2  }
.LBB2_11:
0x74: {  	_ =	sfence.sel $0x180000  }
0x75: {  	[bflag:$0x0] =	sbarrier.arrive $0xFFFF  }
0x76: {  	_ =	strace $0x9000004A  }
0x77: {  	s0 =	stileid.u32;
	[bflag:$0x2] =	sbarrier.arrive $0xFFFF  }
0x78: {  	p0 =	sne.s32 s0, $0x0;
	s0 =	rddreg [dreg:$0x3]  }
0x79: {  	s0 =	sadd.s32 @!p0 $0x100000, s0  }
0x7a: {  	[sflag:s0] =	ssyncadd.tile.s32 @!p0 $0x1;
	_ =	shalt  }
.Lfunc_end2:
_tile_overlayer_lowered:
.L_overlay_start_2:
0x7b: {  	(tag) =	ssettag $0x2  }
0x7c: {  	s0 =	rddreg [dreg:$0x0];
	s2 =	stileid.u32  }
0x7d: {  	s1 =	rddreg [dreg:$0x1];
	p0 =	sne.s32 s2, $0x0  }
0x7e: {  	s3 =	rddreg [dreg:$0x2];
	[bflag:$0x3] =	sbarrier.arrive $0xFFFF;
	s2 =	simm.s32 @!p0 $0x1C09  }
0x7f: {  	[timem:s3], [sflag:s2] =	dma.local @!p0 [hbm:s0], s1  }
0x80: {  	s0 =	simm.s32 @!p0 $0x9  }
0x81: {  	_ =	swait.ge @!p0 [sflag:s0], s1  }
0x82: {  	s1 =	ssub.s32 @!p0 $0x0, s1;
	[sflag:s0] =	ssyncset.done @!p0 $0x0  }
0x83: {  	[sflag:s0] =	ssyncadd.s32 @!p0 s1  }
0x84: {  	[bflag:$0x3] =	sbarrier.arrive $0xFFFF  }
0x85: {  	_ =	shalt  }

</sc_bundles>
